<compile_context>
chip_gen: v7x
topology: tpu7x:2x2x1
jax: 0.10.2.dev20260603
libtpu: 0.0.44.dev20260713+nightly
codegen_flags: <defaults>
</compile_context>

<pallas_src>
import functools

import jax
import jax.numpy as jnp
from jax import lax
from jax.experimental import pallas as pl
from jax.experimental.pallas import tpu as pltpu
from jax.experimental.pallas import tpu_sc as plsc

EMB = 1024
CH = 16
NBUF = 4


def _make_gather(B):
    info = plsc.get_sparse_core_info()
    NC, NS = info.num_cores, info.num_subcores
    NW = NC * NS
    assert B % NW == 0
    b_per_w = B // NW
    assert b_per_w % (NBUF * CH) == 0
    nch = b_per_w // CH

    mesh = plsc.VectorSubcoreMesh(core_axis_name="c", subcore_axis_name="s")

    @functools.partial(
        pl.kernel,
        mesh=mesh,
        out_type=jax.ShapeDtypeStruct((B, EMB), jnp.float32),
        scratch_types=[
            pltpu.VMEM((b_per_w,), jnp.int32),
            pltpu.VMEM((NBUF, CH, EMB), jnp.float32),
        ]
        + [pltpu.SemaphoreType.DMA] * (2 * NBUF),
    )
    def gather_kernel(table_hbm, idx_hbm, out_hbm, idx_v, rows_v, *sems):
        gsems, osems = sems[:NBUF], sems[NBUF:]
        wid = lax.axis_index("s") * NC + lax.axis_index("c")
        base = wid * b_per_w
        pltpu.sync_copy(idx_hbm.at[pl.ds(base, b_per_w)], idx_v)

        def gather_start(i, p):
            pltpu.async_copy(
                table_hbm.at[idx_v.at[pl.ds(i * CH, CH)]], rows_v.at[p], gsems[p]
            )

        def gather_wait(p):
            pltpu.make_async_copy(
                table_hbm.at[idx_v.at[pl.ds(0, CH)]], rows_v.at[p], gsems[p]
            ).wait()

        def out_start(i, p):
            pltpu.async_copy(
                rows_v.at[p], out_hbm.at[pl.ds(base + i * CH, CH)], osems[p]
            )

        def out_wait(p):
            pltpu.make_async_copy(
                rows_v.at[p], out_hbm.at[pl.ds(base, CH)], osems[p]
            ).wait()

        for p in range(NBUF - 1):
            gather_start(p, p)

        def step(c, carry):
            for p in range(NBUF):
                i = NBUF * c + p
                gather_wait(p)
                prev = (p - 1) % NBUF

                @pl.when(i > 0)
                def _():
                    out_wait(prev)

                @pl.when(i + NBUF - 1 < nch)
                def _():
                    gather_start(i + NBUF - 1, prev)

                out_start(i, p)
            return carry

        lax.fori_loop(0, nch // NBUF, step, 0)
        out_wait((nch - 1) % NBUF)

    return gather_kernel


def kernel(pos, table):
    b, s = pos.shape
    flat = pos.reshape(b * s)
    out = _make_gather(b * s)(table, flat)
    return out.reshape(b, s, EMB)

# --- scband reference (transcript-rebuilt; emitter-appended) ---
"""Pipeline reference for scband-positional-embedding-73272142070181 (READ-ONLY COPY).

The authoritative reference and input builder live on the scoring server;
editing this copy changes nothing except your own understanding.
"""

import jax, jax.numpy as jnp
import numpy as np

MAX_LENGTH = 8192
EMB_SIZE = 1024

def get_sinusoid_encoding(position_size, hidden_size):
    pos = np.arange(position_size, dtype=np.float64)[:, None]
    hid = np.arange(hidden_size, dtype=np.float64)[None, :]
    angle = pos / np.power(10000.0, 2.0 * (hid // 2) / hidden_size)
    enc = angle.copy()
    enc[:, 0::2] = np.sin(angle[:, 0::2])
    enc[:, 1::2] = np.cos(angle[:, 1::2])
    return enc.astype('float32')

def setup_inputs(seed: int = 0) -> dict:
    key = jax.random.key(seed)
    pos = jax.random.randint(key, (4, 8192), 0, MAX_LENGTH, dtype=jnp.int32)
    table = jnp.asarray(get_sinusoid_encoding(MAX_LENGTH, EMB_SIZE))
    return {"pos": pos, "table": table}

def reference(pos, table):
    # pos_emb = self.pos_encoder(pos); pos_emb.detach()
    pos_emb = jnp.take(table, pos, axis=0)
    pos_emb = jax.lax.stop_gradient(pos_emb)
    return pos_emb

if __name__ == "__main__":
    import jax
    _d = setup_inputs()
    print(jax.jit(kernel)(*tuple(_d.values())))

</pallas_src>

<mosaic_0001>
#map = affine_map<(d0, d1) -> (0, 0)>
#map1 = affine_map<(d0, d1) -> (0)>
module attributes {stable_mosaic.version = 14 : i64} {
  func.func @gather_kernel(%arg0: i32, %arg1: i32, %arg2: memref<8192x1024xf32, #tpu.memory_space<hbm>>, %arg3: memref<32768xi32, #tpu.memory_space<hbm>>, %arg4: memref<32768x1024xf32, #tpu.memory_space<hbm>>, %arg5: memref<1024xi32, #tpu.memory_space<vmem>>, %arg6: memref<4x16x1024xf32, #tpu.memory_space<vmem>>, %arg7: memref<!tpu.dma_semaphore, #tpu.memory_space<semaphore_mem>>, %arg8: memref<!tpu.dma_semaphore, #tpu.memory_space<semaphore_mem>>, %arg9: memref<!tpu.dma_semaphore, #tpu.memory_space<semaphore_mem>>, %arg10: memref<!tpu.dma_semaphore, #tpu.memory_space<semaphore_mem>>, %arg11: memref<!tpu.dma_semaphore, #tpu.memory_space<semaphore_mem>>, %arg12: memref<!tpu.dma_semaphore, #tpu.memory_space<semaphore_mem>>, %arg13: memref<!tpu.dma_semaphore, #tpu.memory_space<semaphore_mem>>, %arg14: memref<!tpu.dma_semaphore, #tpu.memory_space<semaphore_mem>>) attributes {dimension_semantics = [#tpu.dimension_semantics<core_parallel>, #tpu.dimension_semantics<subcore_parallel>], iteration_bounds = array<i64: 2, 16>, scalar_prefetch = 0 : i64, scratch_operands = 10 : i64, tpu.core_type = #tpu.core_type<sc_vector_subcore>, window_params = [{transform_indices = #map}, {transform_indices = #map1}, {transform_indices = #map}]} {
    %mul3A = arith.constant 2 : i32
    %mul3A_0 = arith.muli %arg1, %mul3A : i32
    %add3A = arith.addi %mul3A_0, %arg0 : i32
    %mul3A_1 = arith.constant 1024 : i32
    %mul3A_2 = arith.muli %add3A, %mul3A_1 : i32
    "tpu.region"() ({
      %run_scoped3A = tpu.sem_alloc : memref<!tpu.dma_semaphore, #tpu.memory_space<semaphore_mem>>
      %dma_start3A_49 = tpu.memref_slice %arg3[%mul3A_2] : memref<32768xi32, #tpu.memory_space<hbm>> -> memref<1024xi32, #tpu.memory_space<hbm>>
      %dma_start3A_50 = tpu.memref_slice %arg3[%mul3A_2] : memref<32768xi32, #tpu.memory_space<hbm>> -> memref<1024xi32, #tpu.memory_space<hbm>>
      tpu.enqueue_dma source(%dma_start3A_50 : memref<1024xi32, #tpu.memory_space<hbm>>) target(%arg5 : memref<1024xi32, #tpu.memory_space<vmem>>) target_semaphore(%run_scoped3A : memref<!tpu.dma_semaphore, #tpu.memory_space<semaphore_mem>>)
      %dma_wait3A_51 = tpu.memref_slice %arg3[%mul3A_2] : memref<32768xi32, #tpu.memory_space<hbm>> -> memref<1024xi32, #tpu.memory_space<hbm>>
      %dma_wait3A_52 = tpu.memref_slice %arg3[%mul3A_2] : memref<32768xi32, #tpu.memory_space<hbm>> -> memref<1024xi32, #tpu.memory_space<hbm>>
      tpu.wait_dma2 semaphore(%run_scoped3A : memref<!tpu.dma_semaphore, #tpu.memory_space<semaphore_mem>>) src(%dma_wait3A_52 : memref<1024xi32, #tpu.memory_space<hbm>>) dst(%arg5 : memref<1024xi32, #tpu.memory_space<vmem>>)
      tpu.yield
    }) : () -> ()
    %dma_start3A = arith.constant 0 : i32
    %dma_start3A_3 = arith.constant 0 : i32
    %dma_start3A_4 = arith.constant 0 : i32
    %dma_start3A_5 = tpu.memref_slice %arg6[%dma_start3A, %dma_start3A_3, %dma_start3A_4] : memref<4x16x1024xf32, #tpu.memory_space<vmem>> -> memref<1x16x1024xf32, #tpu.memory_space<vmem>>
    %dma_start3A_6 = tpu.memref_squeeze %dma_start3A_5 : memref<1x16x1024xf32, #tpu.memory_space<vmem>> -> memref<16x1024xf32, #tpu.memory_space<vmem>>
    %dma_start3A_7 = arith.constant 0 : i32
    %dma_start3A_8 = tpu.memref_slice %arg5[%dma_start3A_7] : memref<1024xi32, #tpu.memory_space<vmem>> -> memref<16xi32, #tpu.memory_space<vmem>>
    %dma_start3A_9 = arith.constant 0 : i32
    %dma_start3A_10 = arith.constant 0 : i32
    %dma_start3A_11 = tpu.memref_slice %arg2[%dma_start3A_9, %dma_start3A_10] : memref<8192x1024xf32, #tpu.memory_space<hbm>> -> memref<8192x1024xf32, #tpu.memory_space<hbm>>
    tpu.enqueue_indirect_dma source(%dma_start3A_11 : memref<8192x1024xf32, #tpu.memory_space<hbm>>) target(%dma_start3A_6 : memref<16x1024xf32, #tpu.memory_space<vmem>>) offsets(%dma_start3A_8 : memref<16xi32, #tpu.memory_space<vmem>>) semaphore(%arg7 : memref<!tpu.dma_semaphore, #tpu.memory_space<semaphore_mem>>)
    %dma_start3A_12 = arith.constant 1 : i32
    %dma_start3A_13 = arith.constant 0 : i32
    %dma_start3A_14 = arith.constant 0 : i32
    %dma_start3A_15 = tpu.memref_slice %arg6[%dma_start3A_12, %dma_start3A_13, %dma_start3A_14] : memref<4x16x1024xf32, #tpu.memory_space<vmem>> -> memref<1x16x1024xf32, #tpu.memory_space<vmem>>
    %dma_start3A_16 = tpu.memref_squeeze %dma_start3A_15 : memref<1x16x1024xf32, #tpu.memory_space<vmem>> -> memref<16x1024xf32, #tpu.memory_space<vmem>>
    %dma_start3A_17 = arith.constant 16 : i32
    %dma_start3A_18 = tpu.memref_slice %arg5[%dma_start3A_17] : memref<1024xi32, #tpu.memory_space<vmem>> -> memref<16xi32, #tpu.memory_space<vmem>>
    %dma_start3A_19 = arith.constant 0 : i32
    %dma_start3A_20 = arith.constant 0 : i32
    %dma_start3A_21 = tpu.memref_slice %arg2[%dma_start3A_19, %dma_start3A_20] : memref<8192x1024xf32, #tpu.memory_space<hbm>> -> memref<8192x1024xf32, #tpu.memory_space<hbm>>
    tpu.enqueue_indirect_dma source(%dma_start3A_21 : memref<8192x1024xf32, #tpu.memory_space<hbm>>) target(%dma_start3A_16 : memref<16x1024xf32, #tpu.memory_space<vmem>>) offsets(%dma_start3A_18 : memref<16xi32, #tpu.memory_space<vmem>>) semaphore(%arg8 : memref<!tpu.dma_semaphore, #tpu.memory_space<semaphore_mem>>)
    %dma_start3A_22 = arith.constant 2 : i32
    %dma_start3A_23 = arith.constant 0 : i32
    %dma_start3A_24 = arith.constant 0 : i32
    %dma_start3A_25 = tpu.memref_slice %arg6[%dma_start3A_22, %dma_start3A_23, %dma_start3A_24] : memref<4x16x1024xf32, #tpu.memory_space<vmem>> -> memref<1x16x1024xf32, #tpu.memory_space<vmem>>
    %dma_start3A_26 = tpu.memref_squeeze %dma_start3A_25 : memref<1x16x1024xf32, #tpu.memory_space<vmem>> -> memref<16x1024xf32, #tpu.memory_space<vmem>>
    %dma_start3A_27 = arith.constant 32 : i32
    %dma_start3A_28 = tpu.memref_slice %arg5[%dma_start3A_27] : memref<1024xi32, #tpu.memory_space<vmem>> -> memref<16xi32, #tpu.memory_space<vmem>>
    %dma_start3A_29 = arith.constant 0 : i32
    %dma_start3A_30 = arith.constant 0 : i32
    %dma_start3A_31 = tpu.memref_slice %arg2[%dma_start3A_29, %dma_start3A_30] : memref<8192x1024xf32, #tpu.memory_space<hbm>> -> memref<8192x1024xf32, #tpu.memory_space<hbm>>
    tpu.enqueue_indirect_dma source(%dma_start3A_31 : memref<8192x1024xf32, #tpu.memory_space<hbm>>) target(%dma_start3A_26 : memref<16x1024xf32, #tpu.memory_space<vmem>>) offsets(%dma_start3A_28 : memref<16xi32, #tpu.memory_space<vmem>>) semaphore(%arg9 : memref<!tpu.dma_semaphore, #tpu.memory_space<semaphore_mem>>)
    %scan3A = arith.constant 0 : i32
    %scan3A_32 = arith.constant 0 : i32
    %scan3A_33 = arith.constant 16 : i32
    %scan3A_34 = arith.addi %scan3A_32, %scan3A_33 : i32
    %scan3A_35 = arith.constant 1 : i32
    scf.for %scan3A_49 = %scan3A_32 to %scan3A_34 step %scan3A_35  : i32 {
      %mul3A_50 = arith.constant 4 : i32
      %mul3A_51 = arith.muli %mul3A_50, %scan3A_49 : i32
      %add3A_52 = arith.constant 0 : i32
      %add3A_53 = arith.addi %mul3A_51, %add3A_52 : i32
      %dma_wait3A_54 = arith.constant 0 : i32
      %dma_wait3A_55 = arith.constant 0 : i32
      %dma_wait3A_56 = arith.constant 0 : i32
      %dma_wait3A_57 = tpu.memref_slice %arg6[%dma_wait3A_54, %dma_wait3A_55, %dma_wait3A_56] : memref<4x16x1024xf32, #tpu.memory_space<vmem>> -> memref<1x16x1024xf32, #tpu.memory_space<vmem>>
      %dma_wait3A_58 = tpu.memref_squeeze %dma_wait3A_57 : memref<1x16x1024xf32, #tpu.memory_space<vmem>> -> memref<16x1024xf32, #tpu.memory_space<vmem>>
      %dma_wait3A_59 = arith.constant 0 : i32
      %dma_wait3A_60 = tpu.memref_slice %arg5[%dma_wait3A_59] : memref<1024xi32, #tpu.memory_space<vmem>> -> memref<16xi32, #tpu.memory_space<vmem>>
      %dma_wait3A_61 = arith.constant 0 : i32
      %dma_wait3A_62 = arith.constant 0 : i32
      %dma_wait3A_63 = tpu.memref_slice %arg2[%dma_wait3A_61, %dma_wait3A_62] : memref<8192x1024xf32, #tpu.memory_space<hbm>> -> memref<8192x1024xf32, #tpu.memory_space<hbm>>
      tpu.wait_indirect_dma semaphore(%arg7 : memref<!tpu.dma_semaphore, #tpu.memory_space<semaphore_mem>>) src(%dma_wait3A_63 : memref<8192x1024xf32, #tpu.memory_space<hbm>>) dst(%dma_wait3A_58 : memref<16x1024xf32, #tpu.memory_space<vmem>>)
      %gt3A = arith.constant 0 : i32
      %gt3A_64 = arith.cmpi sgt, %add3A_53, %gt3A : i32
      %convert_element_type3A = arith.extui %gt3A_64 : i1 to i32
      %cond3A = arith.constant 0 : i32
      %cond3A_65 = arith.cmpi ne, %convert_element_type3A, %cond3A : i32
      scf.if %cond3A_65 {
        %dma_wait3A_221 = arith.constant 3 : i32
        %dma_wait3A_222 = arith.constant 0 : i32
        %dma_wait3A_223 = arith.constant 0 : i32
        %dma_wait3A_224 = tpu.memref_slice %arg6[%dma_wait3A_221, %dma_wait3A_222, %dma_wait3A_223] : memref<4x16x1024xf32, #tpu.memory_space<vmem>> -> memref<1x16x1024xf32, #tpu.memory_space<vmem>>
        %dma_wait3A_225 = tpu.memref_squeeze %dma_wait3A_224 : memref<1x16x1024xf32, #tpu.memory_space<vmem>> -> memref<16x1024xf32, #tpu.memory_space<vmem>>
        %dma_wait3A_226 = arith.constant 0 : i32
        %dma_wait3A_227 = tpu.memref_slice %arg4[%mul3A_2, %dma_wait3A_226] : memref<32768x1024xf32, #tpu.memory_space<hbm>> -> memref<16x1024xf32, #tpu.memory_space<hbm>>
        %dma_wait3A_228 = arith.constant 0 : i32
        %dma_wait3A_229 = tpu.memref_slice %arg4[%mul3A_2, %dma_wait3A_228] : memref<32768x1024xf32, #tpu.memory_space<hbm>> -> memref<16x1024xf32, #tpu.memory_space<hbm>>
        %dma_wait3A_230 = arith.constant 0 : i32
        %dma_wait3A_231 = arith.constant 0 : i32
        %dma_wait3A_232 = tpu.memref_slice %arg6[%dma_wait3A_221, %dma_wait3A_230, %dma_wait3A_231] : memref<4x16x1024xf32, #tpu.memory_space<vmem>> -> memref<1x16x1024xf32, #tpu.memory_space<vmem>>
        %dma_wait3A_233 = tpu.memref_squeeze %dma_wait3A_232 : memref<1x16x1024xf32, #tpu.memory_space<vmem>> -> memref<16x1024xf32, #tpu.memory_space<vmem>>
        tpu.wait_dma2 semaphore(%arg14 : memref<!tpu.dma_semaphore, #tpu.memory_space<semaphore_mem>>) src(%dma_wait3A_233 : memref<16x1024xf32, #tpu.memory_space<vmem>>) dst(%dma_wait3A_229 : memref<16x1024xf32, #tpu.memory_space<hbm>>)
      } else {
      }
      %add3A_66 = arith.constant 4 : i32
      %add3A_67 = arith.addi %add3A_53, %add3A_66 : i32
      %sub3A = arith.constant 1 : i32
      %sub3A_68 = arith.subi %add3A_67, %sub3A : i32
      %lt3A = arith.constant 64 : i32
      %lt3A_69 = arith.cmpi slt, %sub3A_68, %lt3A : i32
      %convert_element_type3A_70 = arith.extui %lt3A_69 : i1 to i32
      %cond3A_71 = arith.constant 0 : i32
      %cond3A_72 = arith.cmpi ne, %convert_element_type3A_70, %cond3A_71 : i32
      scf.if %cond3A_72 {
        %add3A_221 = arith.constant 4 : i32
        %add3A_222 = arith.addi %add3A_53, %add3A_221 : i32
        %sub3A_223 = arith.constant 1 : i32
        %sub3A_224 = arith.subi %add3A_222, %sub3A_223 : i32
        %mul3A_225 = arith.constant 16 : i32
        %mul3A_226 = arith.muli %sub3A_224, %mul3A_225 : i32
        %dma_start3A_227 = arith.constant 3 : i32
        %dma_start3A_228 = arith.constant 0 : i32
        %dma_start3A_229 = arith.constant 0 : i32
        %dma_start3A_230 = tpu.memref_slice %arg6[%dma_start3A_227, %dma_start3A_228, %dma_start3A_229] : memref<4x16x1024xf32, #tpu.memory_space<vmem>> -> memref<1x16x1024xf32, #tpu.memory_space<vmem>>
        %dma_start3A_231 = tpu.memref_squeeze %dma_start3A_230 : memref<1x16x1024xf32, #tpu.memory_space<vmem>> -> memref<16x1024xf32, #tpu.memory_space<vmem>>
        %dma_start3A_232 = tpu.memref_slice %arg5[%mul3A_226] : memref<1024xi32, #tpu.memory_space<vmem>> -> memref<16xi32, #tpu.memory_space<vmem>>
        %dma_start3A_233 = arith.constant 0 : i32
        %dma_start3A_234 = arith.constant 0 : i32
        %dma_start3A_235 = tpu.memref_slice %arg2[%dma_start3A_233, %dma_start3A_234] : memref<8192x1024xf32, #tpu.memory_space<hbm>> -> memref<8192x1024xf32, #tpu.memory_space<hbm>>
        tpu.enqueue_indirect_dma source(%dma_start3A_235 : memref<8192x1024xf32, #tpu.memory_space<hbm>>) target(%dma_start3A_231 : memref<16x1024xf32, #tpu.memory_space<vmem>>) offsets(%dma_start3A_232 : memref<16xi32, #tpu.memory_space<vmem>>) semaphore(%arg10 : memref<!tpu.dma_semaphore, #tpu.memory_space<semaphore_mem>>)
      } else {
      }
      %mul3A_73 = arith.constant 16 : i32
      %mul3A_74 = arith.muli %add3A_53, %mul3A_73 : i32
      %add3A_75 = arith.addi %mul3A_2, %mul3A_74 : i32
      %dma_start3A_76 = arith.constant 0 : i32
      %dma_start3A_77 = arith.constant 0 : i32
      %dma_start3A_78 = arith.constant 0 : i32
      %dma_start3A_79 = tpu.memref_slice %arg6[%dma_start3A_76, %dma_start3A_77, %dma_start3A_78] : memref<4x16x1024xf32, #tpu.memory_space<vmem>> -> memref<1x16x1024xf32, #tpu.memory_space<vmem>>
      %dma_start3A_80 = tpu.memref_squeeze %dma_start3A_79 : memref<1x16x1024xf32, #tpu.memory_space<vmem>> -> memref<16x1024xf32, #tpu.memory_space<vmem>>
      %dma_start3A_81 = arith.constant 0 : i32
      %dma_start3A_82 = tpu.memref_slice %arg4[%add3A_75, %dma_start3A_81] : memref<32768x1024xf32, #tpu.memory_space<hbm>> -> memref<16x1024xf32, #tpu.memory_space<hbm>>
      %dma_start3A_83 = arith.constant 0 : i32
      %dma_start3A_84 = tpu.memref_slice %arg4[%add3A_75, %dma_start3A_83] : memref<32768x1024xf32, #tpu.memory_space<hbm>> -> memref<16x1024xf32, #tpu.memory_space<hbm>>
      %dma_start3A_85 = arith.constant 0 : i32
      %dma_start3A_86 = arith.constant 0 : i32
      %dma_start3A_87 = tpu.memref_slice %arg6[%dma_start3A_76, %dma_start3A_85, %dma_start3A_86] : memref<4x16x1024xf32, #tpu.memory_space<vmem>> -> memref<1x16x1024xf32, #tpu.memory_space<vmem>>
      %dma_start3A_88 = tpu.memref_squeeze %dma_start3A_87 : memref<1x16x1024xf32, #tpu.memory_space<vmem>> -> memref<16x1024xf32, #tpu.memory_space<vmem>>
      tpu.enqueue_dma source(%dma_start3A_88 : memref<16x1024xf32, #tpu.memory_space<vmem>>) target(%dma_start3A_84 : memref<16x1024xf32, #tpu.memory_space<hbm>>) target_semaphore(%arg11 : memref<!tpu.dma_semaphore, #tpu.memory_space<semaphore_mem>>)
      %mul3A_89 = arith.constant 4 : i32
      %mul3A_90 = arith.muli %mul3A_89, %scan3A_49 : i32
      %add3A_91 = arith.constant 1 : i32
      %add3A_92 = arith.addi %mul3A_90, %add3A_91 : i32
      %dma_wait3A_93 = arith.constant 1 : i32
      %dma_wait3A_94 = arith.constant 0 : i32
      %dma_wait3A_95 = arith.constant 0 : i32
      %dma_wait3A_96 = tpu.memref_slice %arg6[%dma_wait3A_93, %dma_wait3A_94, %dma_wait3A_95] : memref<4x16x1024xf32, #tpu.memory_space<vmem>> -> memref<1x16x1024xf32, #tpu.memory_space<vmem>>
      %dma_wait3A_97 = tpu.memref_squeeze %dma_wait3A_96 : memref<1x16x1024xf32, #tpu.memory_space<vmem>> -> memref<16x1024xf32, #tpu.memory_space<vmem>>
      %dma_wait3A_98 = arith.constant 0 : i32
      %dma_wait3A_99 = tpu.memref_slice %arg5[%dma_wait3A_98] : memref<1024xi32, #tpu.memory_space<vmem>> -> memref<16xi32, #tpu.memory_space<vmem>>
      %dma_wait3A_100 = arith.constant 0 : i32
      %dma_wait3A_101 = arith.constant 0 : i32
      %dma_wait3A_102 = tpu.memref_slice %arg2[%dma_wait3A_100, %dma_wait3A_101] : memref<8192x1024xf32, #tpu.memory_space<hbm>> -> memref<8192x1024xf32, #tpu.memory_space<hbm>>
      tpu.wait_indirect_dma semaphore(%arg8 : memref<!tpu.dma_semaphore, #tpu.memory_space<semaphore_mem>>) src(%dma_wait3A_102 : memref<8192x1024xf32, #tpu.memory_space<hbm>>) dst(%dma_wait3A_97 : memref<16x1024xf32, #tpu.memory_space<vmem>>)
      %gt3A_103 = arith.constant 0 : i32
      %gt3A_104 = arith.cmpi sgt, %add3A_92, %gt3A_103 : i32
      %convert_element_type3A_105 = arith.extui %gt3A_104 : i1 to i32
      %cond3A_106 = arith.constant 0 : i32
      %cond3A_107 = arith.cmpi ne, %convert_element_type3A_105, %cond3A_106 : i32
      scf.if %cond3A_107 {
        %dma_wait3A_221 = arith.constant 0 : i32
        %dma_wait3A_222 = arith.constant 0 : i32
        %dma_wait3A_223 = arith.constant 0 : i32
        %dma_wait3A_224 = tpu.memref_slice %arg6[%dma_wait3A_221, %dma_wait3A_222, %dma_wait3A_223] : memref<4x16x1024xf32, #tpu.memory_space<vmem>> -> memref<1x16x1024xf32, #tpu.memory_space<vmem>>
        %dma_wait3A_225 = tpu.memref_squeeze %dma_wait3A_224 : memref<1x16x1024xf32, #tpu.memory_space<vmem>> -> memref<16x1024xf32, #tpu.memory_space<vmem>>
        %dma_wait3A_226 = arith.constant 0 : i32
        %dma_wait3A_227 = tpu.memref_slice %arg4[%mul3A_2, %dma_wait3A_226] : memref<32768x1024xf32, #tpu.memory_space<hbm>> -> memref<16x1024xf32, #tpu.memory_space<hbm>>
        %dma_wait3A_228 = arith.constant 0 : i32
        %dma_wait3A_229 = tpu.memref_slice %arg4[%mul3A_2, %dma_wait3A_228] : memref<32768x1024xf32, #tpu.memory_space<hbm>> -> memref<16x1024xf32, #tpu.memory_space<hbm>>
        %dma_wait3A_230 = arith.constant 0 : i32
        %dma_wait3A_231 = arith.constant 0 : i32
        %dma_wait3A_232 = tpu.memref_slice %arg6[%dma_wait3A_221, %dma_wait3A_230, %dma_wait3A_231] : memref<4x16x1024xf32, #tpu.memory_space<vmem>> -> memref<1x16x1024xf32, #tpu.memory_space<vmem>>
        %dma_wait3A_233 = tpu.memref_squeeze %dma_wait3A_232 : memref<1x16x1024xf32, #tpu.memory_space<vmem>> -> memref<16x1024xf32, #tpu.memory_space<vmem>>
        tpu.wait_dma2 semaphore(%arg11 : memref<!tpu.dma_semaphore, #tpu.memory_space<semaphore_mem>>) src(%dma_wait3A_233 : memref<16x1024xf32, #tpu.memory_space<vmem>>) dst(%dma_wait3A_229 : memref<16x1024xf32, #tpu.memory_space<hbm>>)
      } else {
      }
      %add3A_108 = arith.constant 4 : i32
      %add3A_109 = arith.addi %add3A_92, %add3A_108 : i32
      %sub3A_110 = arith.constant 1 : i32
      %sub3A_111 = arith.subi %add3A_109, %sub3A_110 : i32
      %lt3A_112 = arith.constant 64 : i32
      %lt3A_113 = arith.cmpi slt, %sub3A_111, %lt3A_112 : i32
      %convert_element_type3A_114 = arith.extui %lt3A_113 : i1 to i32
      %cond3A_115 = arith.constant 0 : i32
      %cond3A_116 = arith.cmpi ne, %convert_element_type3A_114, %cond3A_115 : i32
      scf.if %cond3A_116 {
        %add3A_221 = arith.constant 4 : i32
        %add3A_222 = arith.addi %add3A_92, %add3A_221 : i32
        %sub3A_223 = arith.constant 1 : i32
        %sub3A_224 = arith.subi %add3A_222, %sub3A_223 : i32
        %mul3A_225 = arith.constant 16 : i32
        %mul3A_226 = arith.muli %sub3A_224, %mul3A_225 : i32
        %dma_start3A_227 = arith.constant 0 : i32
        %dma_start3A_228 = arith.constant 0 : i32
        %dma_start3A_229 = arith.constant 0 : i32
        %dma_start3A_230 = tpu.memref_slice %arg6[%dma_start3A_227, %dma_start3A_228, %dma_start3A_229] : memref<4x16x1024xf32, #tpu.memory_space<vmem>> -> memref<1x16x1024xf32, #tpu.memory_space<vmem>>
        %dma_start3A_231 = tpu.memref_squeeze %dma_start3A_230 : memref<1x16x1024xf32, #tpu.memory_space<vmem>> -> memref<16x1024xf32, #tpu.memory_space<vmem>>
        %dma_start3A_232 = tpu.memref_slice %arg5[%mul3A_226] : memref<1024xi32, #tpu.memory_space<vmem>> -> memref<16xi32, #tpu.memory_space<vmem>>
        %dma_start3A_233 = arith.constant 0 : i32
        %dma_start3A_234 = arith.constant 0 : i32
        %dma_start3A_235 = tpu.memref_slice %arg2[%dma_start3A_233, %dma_start3A_234] : memref<8192x1024xf32, #tpu.memory_space<hbm>> -> memref<8192x1024xf32, #tpu.memory_space<hbm>>
        tpu.enqueue_indirect_dma source(%dma_start3A_235 : memref<8192x1024xf32, #tpu.memory_space<hbm>>) target(%dma_start3A_231 : memref<16x1024xf32, #tpu.memory_space<vmem>>) offsets(%dma_start3A_232 : memref<16xi32, #tpu.memory_space<vmem>>) semaphore(%arg7 : memref<!tpu.dma_semaphore, #tpu.memory_space<semaphore_mem>>)
      } else {
      }
      %mul3A_117 = arith.constant 16 : i32
      %mul3A_118 = arith.muli %add3A_92, %mul3A_117 : i32
      %add3A_119 = arith.addi %mul3A_2, %mul3A_118 : i32
      %dma_start3A_120 = arith.constant 1 : i32
      %dma_start3A_121 = arith.constant 0 : i32
      %dma_start3A_122 = arith.constant 0 : i32
      %dma_start3A_123 = tpu.memref_slice %arg6[%dma_start3A_120, %dma_start3A_121, %dma_start3A_122] : memref<4x16x1024xf32, #tpu.memory_space<vmem>> -> memref<1x16x1024xf32, #tpu.memory_space<vmem>>
      %dma_start3A_124 = tpu.memref_squeeze %dma_start3A_123 : memref<1x16x1024xf32, #tpu.memory_space<vmem>> -> memref<16x1024xf32, #tpu.memory_space<vmem>>
      %dma_start3A_125 = arith.constant 0 : i32
      %dma_start3A_126 = tpu.memref_slice %arg4[%add3A_119, %dma_start3A_125] : memref<32768x1024xf32, #tpu.memory_space<hbm>> -> memref<16x1024xf32, #tpu.memory_space<hbm>>
      %dma_start3A_127 = arith.constant 0 : i32
      %dma_start3A_128 = tpu.memref_slice %arg4[%add3A_119, %dma_start3A_127] : memref<32768x1024xf32, #tpu.memory_space<hbm>> -> memref<16x1024xf32, #tpu.memory_space<hbm>>
      %dma_start3A_129 = arith.constant 0 : i32
      %dma_start3A_130 = arith.constant 0 : i32
      %dma_start3A_131 = tpu.memref_slice %arg6[%dma_start3A_120, %dma_start3A_129, %dma_start3A_130] : memref<4x16x1024xf32, #tpu.memory_space<vmem>> -> memref<1x16x1024xf32, #tpu.memory_space<vmem>>
      %dma_start3A_132 = tpu.memref_squeeze %dma_start3A_131 : memref<1x16x1024xf32, #tpu.memory_space<vmem>> -> memref<16x1024xf32, #tpu.memory_space<vmem>>
      tpu.enqueue_dma source(%dma_start3A_132 : memref<16x1024xf32, #tpu.memory_space<vmem>>) target(%dma_start3A_128 : memref<16x1024xf32, #tpu.memory_space<hbm>>) target_semaphore(%arg12 : memref<!tpu.dma_semaphore, #tpu.memory_space<semaphore_mem>>)
      %mul3A_133 = arith.constant 4 : i32
      %mul3A_134 = arith.muli %mul3A_133, %scan3A_49 : i32
      %add3A_135 = arith.constant 2 : i32
      %add3A_136 = arith.addi %mul3A_134, %add3A_135 : i32
      %dma_wait3A_137 = arith.constant 2 : i32
      %dma_wait3A_138 = arith.constant 0 : i32
      %dma_wait3A_139 = arith.constant 0 : i32
      %dma_wait3A_140 = tpu.memref_slice %arg6[%dma_wait3A_137, %dma_wait3A_138, %dma_wait3A_139] : memref<4x16x1024xf32, #tpu.memory_space<vmem>> -> memref<1x16x1024xf32, #tpu.memory_space<vmem>>
      %dma_wait3A_141 = tpu.memref_squeeze %dma_wait3A_140 : memref<1x16x1024xf32, #tpu.memory_space<vmem>> -> memref<16x1024xf32, #tpu.memory_space<vmem>>
      %dma_wait3A_142 = arith.constant 0 : i32
      %dma_wait3A_143 = tpu.memref_slice %arg5[%dma_wait3A_142] : memref<1024xi32, #tpu.memory_space<vmem>> -> memref<16xi32, #tpu.memory_space<vmem>>
      %dma_wait3A_144 = arith.constant 0 : i32
      %dma_wait3A_145 = arith.constant 0 : i32
      %dma_wait3A_146 = tpu.memref_slice %arg2[%dma_wait3A_144, %dma_wait3A_145] : memref<8192x1024xf32, #tpu.memory_space<hbm>> -> memref<8192x1024xf32, #tpu.memory_space<hbm>>
      tpu.wait_indirect_dma semaphore(%arg9 : memref<!tpu.dma_semaphore, #tpu.memory_space<semaphore_mem>>) src(%dma_wait3A_146 : memref<8192x1024xf32, #tpu.memory_space<hbm>>) dst(%dma_wait3A_141 : memref<16x1024xf32, #tpu.memory_space<vmem>>)
      %gt3A_147 = arith.constant 0 : i32
      %gt3A_148 = arith.cmpi sgt, %add3A_136, %gt3A_147 : i32
      %convert_element_type3A_149 = arith.extui %gt3A_148 : i1 to i32
      %cond3A_150 = arith.constant 0 : i32
      %cond3A_151 = arith.cmpi ne, %convert_element_type3A_149, %cond3A_150 : i32
      scf.if %cond3A_151 {
        %dma_wait3A_221 = arith.constant 1 : i32
        %dma_wait3A_222 = arith.constant 0 : i32
        %dma_wait3A_223 = arith.constant 0 : i32
        %dma_wait3A_224 = tpu.memref_slice %arg6[%dma_wait3A_221, %dma_wait3A_222, %dma_wait3A_223] : memref<4x16x1024xf32, #tpu.memory_space<vmem>> -> memref<1x16x1024xf32, #tpu.memory_space<vmem>>
        %dma_wait3A_225 = tpu.memref_squeeze %dma_wait3A_224 : memref<1x16x1024xf32, #tpu.memory_space<vmem>> -> memref<16x1024xf32, #tpu.memory_space<vmem>>
        %dma_wait3A_226 = arith.constant 0 : i32
        %dma_wait3A_227 = tpu.memref_slice %arg4[%mul3A_2, %dma_wait3A_226] : memref<32768x1024xf32, #tpu.memory_space<hbm>> -> memref<16x1024xf32, #tpu.memory_space<hbm>>
        %dma_wait3A_228 = arith.constant 0 : i32
        %dma_wait3A_229 = tpu.memref_slice %arg4[%mul3A_2, %dma_wait3A_228] : memref<32768x1024xf32, #tpu.memory_space<hbm>> -> memref<16x1024xf32, #tpu.memory_space<hbm>>
        %dma_wait3A_230 = arith.constant 0 : i32
        %dma_wait3A_231 = arith.constant 0 : i32
        %dma_wait3A_232 = tpu.memref_slice %arg6[%dma_wait3A_221, %dma_wait3A_230, %dma_wait3A_231] : memref<4x16x1024xf32, #tpu.memory_space<vmem>> -> memref<1x16x1024xf32, #tpu.memory_space<vmem>>
        %dma_wait3A_233 = tpu.memref_squeeze %dma_wait3A_232 : memref<1x16x1024xf32, #tpu.memory_space<vmem>> -> memref<16x1024xf32, #tpu.memory_space<vmem>>
        tpu.wait_dma2 semaphore(%arg12 : memref<!tpu.dma_semaphore, #tpu.memory_space<semaphore_mem>>) src(%dma_wait3A_233 : memref<16x1024xf32, #tpu.memory_space<vmem>>) dst(%dma_wait3A_229 : memref<16x1024xf32, #tpu.memory_space<hbm>>)
      } else {
      }
      %add3A_152 = arith.constant 4 : i32
      %add3A_153 = arith.addi %add3A_136, %add3A_152 : i32
      %sub3A_154 = arith.constant 1 : i32
      %sub3A_155 = arith.subi %add3A_153, %sub3A_154 : i32
      %lt3A_156 = arith.constant 64 : i32
      %lt3A_157 = arith.cmpi slt, %sub3A_155, %lt3A_156 : i32
      %convert_element_type3A_158 = arith.extui %lt3A_157 : i1 to i32
      %cond3A_159 = arith.constant 0 : i32
      %cond3A_160 = arith.cmpi ne, %convert_element_type3A_158, %cond3A_159 : i32
      scf.if %cond3A_160 {
        %add3A_221 = arith.constant 4 : i32
        %add3A_222 = arith.addi %add3A_136, %add3A_221 : i32
        %sub3A_223 = arith.constant 1 : i32
        %sub3A_224 = arith.subi %add3A_222, %sub3A_223 : i32
        %mul3A_225 = arith.constant 16 : i32
        %mul3A_226 = arith.muli %sub3A_224, %mul3A_225 : i32
        %dma_start3A_227 = arith.constant 1 : i32
        %dma_start3A_228 = arith.constant 0 : i32
        %dma_start3A_229 = arith.constant 0 : i32
        %dma_start3A_230 = tpu.memref_slice %arg6[%dma_start3A_227, %dma_start3A_228, %dma_start3A_229] : memref<4x16x1024xf32, #tpu.memory_space<vmem>> -> memref<1x16x1024xf32, #tpu.memory_space<vmem>>
        %dma_start3A_231 = tpu.memref_squeeze %dma_start3A_230 : memref<1x16x1024xf32, #tpu.memory_space<vmem>> -> memref<16x1024xf32, #tpu.memory_space<vmem>>
        %dma_start3A_232 = tpu.memref_slice %arg5[%mul3A_226] : memref<1024xi32, #tpu.memory_space<vmem>> -> memref<16xi32, #tpu.memory_space<vmem>>
        %dma_start3A_233 = arith.constant 0 : i32
        %dma_start3A_234 = arith.constant 0 : i32
        %dma_start3A_235 = tpu.memref_slice %arg2[%dma_start3A_233, %dma_start3A_234] : memref<8192x1024xf32, #tpu.memory_space<hbm>> -> memref<8192x1024xf32, #tpu.memory_space<hbm>>
        tpu.enqueue_indirect_dma source(%dma_start3A_235 : memref<8192x1024xf32, #tpu.memory_space<hbm>>) target(%dma_start3A_231 : memref<16x1024xf32, #tpu.memory_space<vmem>>) offsets(%dma_start3A_232 : memref<16xi32, #tpu.memory_space<vmem>>) semaphore(%arg8 : memref<!tpu.dma_semaphore, #tpu.memory_space<semaphore_mem>>)
      } else {
      }
      %mul3A_161 = arith.constant 16 : i32
      %mul3A_162 = arith.muli %add3A_136, %mul3A_161 : i32
      %add3A_163 = arith.addi %mul3A_2, %mul3A_162 : i32
      %dma_start3A_164 = arith.constant 2 : i32
      %dma_start3A_165 = arith.constant 0 : i32
      %dma_start3A_166 = arith.constant 0 : i32
      %dma_start3A_167 = tpu.memref_slice %arg6[%dma_start3A_164, %dma_start3A_165, %dma_start3A_166] : memref<4x16x1024xf32, #tpu.memory_space<vmem>> -> memref<1x16x1024xf32, #tpu.memory_space<vmem>>
      %dma_start3A_168 = tpu.memref_squeeze %dma_start3A_167 : memref<1x16x1024xf32, #tpu.memory_space<vmem>> -> memref<16x1024xf32, #tpu.memory_space<vmem>>
      %dma_start3A_169 = arith.constant 0 : i32
      %dma_start3A_170 = tpu.memref_slice %arg4[%add3A_163, %dma_start3A_169] : memref<32768x1024xf32, #tpu.memory_space<hbm>> -> memref<16x1024xf32, #tpu.memory_space<hbm>>
      %dma_start3A_171 = arith.constant 0 : i32
      %dma_start3A_172 = tpu.memref_slice %arg4[%add3A_163, %dma_start3A_171] : memref<32768x1024xf32, #tpu.memory_space<hbm>> -> memref<16x1024xf32, #tpu.memory_space<hbm>>
      %dma_start3A_173 = arith.constant 0 : i32
      %dma_start3A_174 = arith.constant 0 : i32
      %dma_start3A_175 = tpu.memref_slice %arg6[%dma_start3A_164, %dma_start3A_173, %dma_start3A_174] : memref<4x16x1024xf32, #tpu.memory_space<vmem>> -> memref<1x16x1024xf32, #tpu.memory_space<vmem>>
      %dma_start3A_176 = tpu.memref_squeeze %dma_start3A_175 : memref<1x16x1024xf32, #tpu.memory_space<vmem>> -> memref<16x1024xf32, #tpu.memory_space<vmem>>
      tpu.enqueue_dma source(%dma_start3A_176 : memref<16x1024xf32, #tpu.memory_space<vmem>>) target(%dma_start3A_172 : memref<16x1024xf32, #tpu.memory_space<hbm>>) target_semaphore(%arg13 : memref<!tpu.dma_semaphore, #tpu.memory_space<semaphore_mem>>)
      %mul3A_177 = arith.constant 4 : i32
      %mul3A_178 = arith.muli %mul3A_177, %scan3A_49 : i32
      %add3A_179 = arith.constant 3 : i32
      %add3A_180 = arith.addi %mul3A_178, %add3A_179 : i32
      %dma_wait3A_181 = arith.constant 3 : i32
      %dma_wait3A_182 = arith.constant 0 : i32
      %dma_wait3A_183 = arith.constant 0 : i32
      %dma_wait3A_184 = tpu.memref_slice %arg6[%dma_wait3A_181, %dma_wait3A_182, %dma_wait3A_183] : memref<4x16x1024xf32, #tpu.memory_space<vmem>> -> memref<1x16x1024xf32, #tpu.memory_space<vmem>>
      %dma_wait3A_185 = tpu.memref_squeeze %dma_wait3A_184 : memref<1x16x1024xf32, #tpu.memory_space<vmem>> -> memref<16x1024xf32, #tpu.memory_space<vmem>>
      %dma_wait3A_186 = arith.constant 0 : i32
      %dma_wait3A_187 = tpu.memref_slice %arg5[%dma_wait3A_186] : memref<1024xi32, #tpu.memory_space<vmem>> -> memref<16xi32, #tpu.memory_space<vmem>>
      %dma_wait3A_188 = arith.constant 0 : i32
      %dma_wait3A_189 = arith.constant 0 : i32
      %dma_wait3A_190 = tpu.memref_slice %arg2[%dma_wait3A_188, %dma_wait3A_189] : memref<8192x1024xf32, #tpu.memory_space<hbm>> -> memref<8192x1024xf32, #tpu.memory_space<hbm>>
      tpu.wait_indirect_dma semaphore(%arg10 : memref<!tpu.dma_semaphore, #tpu.memory_space<semaphore_mem>>) src(%dma_wait3A_190 : memref<8192x1024xf32, #tpu.memory_space<hbm>>) dst(%dma_wait3A_185 : memref<16x1024xf32, #tpu.memory_space<vmem>>)
      %gt3A_191 = arith.constant 0 : i32
      %gt3A_192 = arith.cmpi sgt, %add3A_180, %gt3A_191 : i32
      %convert_element_type3A_193 = arith.extui %gt3A_192 : i1 to i32
      %cond3A_194 = arith.constant 0 : i32
      %cond3A_195 = arith.cmpi ne, %convert_element_type3A_193, %cond3A_194 : i32
      scf.if %cond3A_195 {
        %dma_wait3A_221 = arith.constant 2 : i32
        %dma_wait3A_222 = arith.constant 0 : i32
        %dma_wait3A_223 = arith.constant 0 : i32
        %dma_wait3A_224 = tpu.memref_slice %arg6[%dma_wait3A_221, %dma_wait3A_222, %dma_wait3A_223] : memref<4x16x1024xf32, #tpu.memory_space<vmem>> -> memref<1x16x1024xf32, #tpu.memory_space<vmem>>
        %dma_wait3A_225 = tpu.memref_squeeze %dma_wait3A_224 : memref<1x16x1024xf32, #tpu.memory_space<vmem>> -> memref<16x1024xf32, #tpu.memory_space<vmem>>
        %dma_wait3A_226 = arith.constant 0 : i32
        %dma_wait3A_227 = tpu.memref_slice %arg4[%mul3A_2, %dma_wait3A_226] : memref<32768x1024xf32, #tpu.memory_space<hbm>> -> memref<16x1024xf32, #tpu.memory_space<hbm>>
        %dma_wait3A_228 = arith.constant 0 : i32
        %dma_wait3A_229 = tpu.memref_slice %arg4[%mul3A_2, %dma_wait3A_228] : memref<32768x1024xf32, #tpu.memory_space<hbm>> -> memref<16x1024xf32, #tpu.memory_space<hbm>>
        %dma_wait3A_230 = arith.constant 0 : i32
        %dma_wait3A_231 = arith.constant 0 : i32
        %dma_wait3A_232 = tpu.memref_slice %arg6[%dma_wait3A_221, %dma_wait3A_230, %dma_wait3A_231] : memref<4x16x1024xf32, #tpu.memory_space<vmem>> -> memref<1x16x1024xf32, #tpu.memory_space<vmem>>
        %dma_wait3A_233 = tpu.memref_squeeze %dma_wait3A_232 : memref<1x16x1024xf32, #tpu.memory_space<vmem>> -> memref<16x1024xf32, #tpu.memory_space<vmem>>
        tpu.wait_dma2 semaphore(%arg13 : memref<!tpu.dma_semaphore, #tpu.memory_space<semaphore_mem>>) src(%dma_wait3A_233 : memref<16x1024xf32, #tpu.memory_space<vmem>>) dst(%dma_wait3A_229 : memref<16x1024xf32, #tpu.memory_space<hbm>>)
      } else {
      }
      %add3A_196 = arith.constant 4 : i32
      %add3A_197 = arith.addi %add3A_180, %add3A_196 : i32
      %sub3A_198 = arith.constant 1 : i32
      %sub3A_199 = arith.subi %add3A_197, %sub3A_198 : i32
      %lt3A_200 = arith.constant 64 : i32
      %lt3A_201 = arith.cmpi slt, %sub3A_199, %lt3A_200 : i32
      %convert_element_type3A_202 = arith.extui %lt3A_201 : i1 to i32
      %cond3A_203 = arith.constant 0 : i32
      %cond3A_204 = arith.cmpi ne, %convert_element_type3A_202, %cond3A_203 : i32
      scf.if %cond3A_204 {
        %add3A_221 = arith.constant 4 : i32
        %add3A_222 = arith.addi %add3A_180, %add3A_221 : i32
        %sub3A_223 = arith.constant 1 : i32
        %sub3A_224 = arith.subi %add3A_222, %sub3A_223 : i32
        %mul3A_225 = arith.constant 16 : i32
        %mul3A_226 = arith.muli %sub3A_224, %mul3A_225 : i32
        %dma_start3A_227 = arith.constant 2 : i32
        %dma_start3A_228 = arith.constant 0 : i32
        %dma_start3A_229 = arith.constant 0 : i32
        %dma_start3A_230 = tpu.memref_slice %arg6[%dma_start3A_227, %dma_start3A_228, %dma_start3A_229] : memref<4x16x1024xf32, #tpu.memory_space<vmem>> -> memref<1x16x1024xf32, #tpu.memory_space<vmem>>
        %dma_start3A_231 = tpu.memref_squeeze %dma_start3A_230 : memref<1x16x1024xf32, #tpu.memory_space<vmem>> -> memref<16x1024xf32, #tpu.memory_space<vmem>>
        %dma_start3A_232 = tpu.memref_slice %arg5[%mul3A_226] : memref<1024xi32, #tpu.memory_space<vmem>> -> memref<16xi32, #tpu.memory_space<vmem>>
        %dma_start3A_233 = arith.constant 0 : i32
        %dma_start3A_234 = arith.constant 0 : i32
        %dma_start3A_235 = tpu.memref_slice %arg2[%dma_start3A_233, %dma_start3A_234] : memref<8192x1024xf32, #tpu.memory_space<hbm>> -> memref<8192x1024xf32, #tpu.memory_space<hbm>>
        tpu.enqueue_indirect_dma source(%dma_start3A_235 : memref<8192x1024xf32, #tpu.memory_space<hbm>>) target(%dma_start3A_231 : memref<16x1024xf32, #tpu.memory_space<vmem>>) offsets(%dma_start3A_232 : memref<16xi32, #tpu.memory_space<vmem>>) semaphore(%arg9 : memref<!tpu.dma_semaphore, #tpu.memory_space<semaphore_mem>>)
      } else {
      }
      %mul3A_205 = arith.constant 16 : i32
      %mul3A_206 = arith.muli %add3A_180, %mul3A_205 : i32
      %add3A_207 = arith.addi %mul3A_2, %mul3A_206 : i32
      %dma_start3A_208 = arith.constant 3 : i32
      %dma_start3A_209 = arith.constant 0 : i32
      %dma_start3A_210 = arith.constant 0 : i32
      %dma_start3A_211 = tpu.memref_slice %arg6[%dma_start3A_208, %dma_start3A_209, %dma_start3A_210] : memref<4x16x1024xf32, #tpu.memory_space<vmem>> -> memref<1x16x1024xf32, #tpu.memory_space<vmem>>
      %dma_start3A_212 = tpu.memref_squeeze %dma_start3A_211 : memref<1x16x1024xf32, #tpu.memory_space<vmem>> -> memref<16x1024xf32, #tpu.memory_space<vmem>>
      %dma_start3A_213 = arith.constant 0 : i32
      %dma_start3A_214 = tpu.memref_slice %arg4[%add3A_207, %dma_start3A_213] : memref<32768x1024xf32, #tpu.memory_space<hbm>> -> memref<16x1024xf32, #tpu.memory_space<hbm>>
      %dma_start3A_215 = arith.constant 0 : i32
      %dma_start3A_216 = tpu.memref_slice %arg4[%add3A_207, %dma_start3A_215] : memref<32768x1024xf32, #tpu.memory_space<hbm>> -> memref<16x1024xf32, #tpu.memory_space<hbm>>
      %dma_start3A_217 = arith.constant 0 : i32
      %dma_start3A_218 = arith.constant 0 : i32
      %dma_start3A_219 = tpu.memref_slice %arg6[%dma_start3A_208, %dma_start3A_217, %dma_start3A_218] : memref<4x16x1024xf32, #tpu.memory_space<vmem>> -> memref<1x16x1024xf32, #tpu.memory_space<vmem>>
      %dma_start3A_220 = tpu.memref_squeeze %dma_start3A_219 : memref<1x16x1024xf32, #tpu.memory_space<vmem>> -> memref<16x1024xf32, #tpu.memory_space<vmem>>
      tpu.enqueue_dma source(%dma_start3A_220 : memref<16x1024xf32, #tpu.memory_space<vmem>>) target(%dma_start3A_216 : memref<16x1024xf32, #tpu.memory_space<hbm>>) target_semaphore(%arg14 : memref<!tpu.dma_semaphore, #tpu.memory_space<semaphore_mem>>)
    }
    %scan3A_36 = arith.constant 16 : i32
    %dma_wait3A = arith.constant 3 : i32
    %dma_wait3A_37 = arith.constant 0 : i32
    %dma_wait3A_38 = arith.constant 0 : i32
    %dma_wait3A_39 = tpu.memref_slice %arg6[%dma_wait3A, %dma_wait3A_37, %dma_wait3A_38] : memref<4x16x1024xf32, #tpu.memory_space<vmem>> -> memref<1x16x1024xf32, #tpu.memory_space<vmem>>
    %dma_wait3A_40 = tpu.memref_squeeze %dma_wait3A_39 : memref<1x16x1024xf32, #tpu.memory_space<vmem>> -> memref<16x1024xf32, #tpu.memory_space<vmem>>
    %dma_wait3A_41 = arith.constant 0 : i32
    %dma_wait3A_42 = tpu.memref_slice %arg4[%mul3A_2, %dma_wait3A_41] : memref<32768x1024xf32, #tpu.memory_space<hbm>> -> memref<16x1024xf32, #tpu.memory_space<hbm>>
    %dma_wait3A_43 = arith.constant 0 : i32
    %dma_wait3A_44 = tpu.memref_slice %arg4[%mul3A_2, %dma_wait3A_43] : memref<32768x1024xf32, #tpu.memory_space<hbm>> -> memref<16x1024xf32, #tpu.memory_space<hbm>>
    %dma_wait3A_45 = arith.constant 0 : i32
    %dma_wait3A_46 = arith.constant 0 : i32
    %dma_wait3A_47 = tpu.memref_slice %arg6[%dma_wait3A, %dma_wait3A_45, %dma_wait3A_46] : memref<4x16x1024xf32, #tpu.memory_space<vmem>> -> memref<1x16x1024xf32, #tpu.memory_space<vmem>>
    %dma_wait3A_48 = tpu.memref_squeeze %dma_wait3A_47 : memref<1x16x1024xf32, #tpu.memory_space<vmem>> -> memref<16x1024xf32, #tpu.memory_space<vmem>>
    tpu.wait_dma2 semaphore(%arg14 : memref<!tpu.dma_semaphore, #tpu.memory_space<semaphore_mem>>) src(%dma_wait3A_48 : memref<16x1024xf32, #tpu.memory_space<vmem>>) dst(%dma_wait3A_44 : memref<16x1024xf32, #tpu.memory_space<hbm>>)
    return
  }
}

</mosaic_0001>

<sc_bundles>
// kernel: kernel.3.cloned.1.call-start
scs
__scs_entry_jumppad:
0x0: {  	(pc) =	sbr.rel $0x88, $3  }
0x1: {  	(tag) =	ssettag $0x0;
	lr =	simm.s32 $0x1  }
0x2: {  	[smem:$0x3F9F] =	sst lr;
	_ =	strace $0xD0000000  }
0x3: {  	_ = 	snop  }
0x4: {  	_ = 	snop  }
0x5: {  	_ = 	snop  }
0x6: {  	_ = 	snop  }
0x7: {  	_ = 	snop  }
__scs_overlays_trampoline_lowered:
0x8: {  	[smem:$0x3FAE] =	sst s0  }
0x9: {  	[smem:$0x3FAF] =	sst s1  }
0xa: {  	[smem:$0x3FB0] =	sst s2  }
0xb: {  	[smem:$0x3FB1] =	sst s3  }
0xc: {  	[smem:$0x3FB2] =	sst s4  }
0xd: {  	[smem:$0x3FB3] =	sst s5  }
0xe: {  	[smem:$0x3FB4] =	sst s6  }
0xf: {  	[smem:$0x3FB5] =	sst s7  }
0x10: {  	[smem:$0x3FB6] =	sst s8  }
0x11: {  	[smem:$0x3FB7] =	sst s9;
	s0 =	simm.s32 @!p0 $0x0  }
0x12: {  	s1 =	sld [smem:$0x3F9D];
	s0 =	simm.s32 @p0 $0x1  }
0x13: {  	[smem:$0x3FB8] =	sst s0;
	s0 =	simm.s32 @!p1 $0x0  }
0x14: {  	s2 =	sld [smem:$0x3F9C];
	s0 =	simm.s32 @p1 $0x1  }
0x15: {  	[smem:$0x3FB9] =	sst s0;
	s0 =	simm.s32 @!p2 $0x0  }
0x16: {  	s3 =	sld [smem:$0x3FDB];
	s0 =	simm.s32 @p2 $0x1  }
0x17: {  	s4 =	simm.s32 $0x1BF5;
	[smem:$0x3FBB] =	sst s0  }
0x18: {  	s0 =	sld [smem:$0x3F9E];
	_ =	swait.ge [sflag:s4], $0x0  }
0x19: {  	s7 =	sld [smem:$0x3F9F]  }
0x1a: {  	s8 =	sadd.s32 $0xFFFFE003, lr  }
0x1b: {  	s9 =	sadd.s32 $0xFFFFFEF7, lr;
	s5 =	simm.s32 $0xFFFFFFFF;
	p2 =	slt.u32 s8, $0xFFFFF086  }
0x1c: {  	p1 =	slt.u32 s9, $0xF7A;
	s5 =	simm.s32 @!p2 $0x0  }
0x1d: {  	s5 =	simm.s32 @p1 $0x1;
	p0 =	seq.s32 s7, s2  }
0x1e: {  	s7 =	smul.u32 @!p0 $0xF7A, s2;
	p2 =	seq.s32 @!p0 s5, $0x0  }
0x1f: {  	s9 =	smul.u32 $0xF7A, s1;
	s8 =	simm.s32 @!p0 $0x1BF5;
	p2 =	por !p2, p0  }
0x20: {  	[sflag:s8] =	ssyncset.s32 @!p0 $0xFFFFF086;
	s6 =	sadd.s32 @!p0 s3, s7;
	s7 =	simm.s32 @!p0 $0x108  }
0x21: {  	s3 =	sadd.s32 s3, s9;
	s6 =	sadd.s32 @!p0 $0x88, s6;
	s7 =	simm.s32 @p2 $0x1082  }
0x22: {  	[simem:s7], [sflag:s8] =	dma.local @!p0 [hbm:s6], $0xF7A  }
0x23: {  	s9 =	sor.u32 $0xD0000000, s2;
	s6 =	simm.s32 $0x108;
	_ =	swait.ge @!p0 [sflag:s8], $0x0  }
0x24: {  	s3 =	sadd.s32 $0x88, s3;
	s6 =	simm.s32 @!p1 $0x1082;
	[sflag:s4] =	ssyncset.s32 $0xFFFFF086  }
0x25: {  	[simem:s6], [sflag:s4] =	dma.local [hbm:s3], $0xF7A  }
0x26: {  	[smem:$0x3F9F] =	sst s1;
	(tag) =	ssettag s2;
	_ =	strace s9  }
0x27: {  	s1 =	sld [smem:$0x3FAF]  }
0x28: {  	s2 =	sld [smem:$0x3FB0]  }
0x29: {  	s4 =	sld [smem:$0x3FB2]  }
0x2a: {  	p0 =	seq.s32 s5, $0x0;
	s5 =	sld [smem:$0x3FB3]  }
0x2b: {  	s6 =	sld [smem:$0x3FB4]  }
0x2c: {  	s7 =	sld [smem:$0x3FB5]  }
0x2d: {  	s3 =	simm.s32 $0x108;
	s8 =	sld [smem:$0x3FB6]  }
0x2e: {  	s3 =	simm.s32 @!p0 $0x1082;
	s9 =	sld [smem:$0x3FB7]  }
0x2f: {  	lr =	sadd.s32 s0, s3;
	s0 =	sld [smem:$0x3FAE]  }
0x30: {  	s3 =	sld [smem:$0x3FB1]  }
0x31: {  	[smem:$0x3FBA] =	sst s10  }
0x32: {  	s10 =	sld [smem:$0x3FB8];
	_ =	sdelay $0x3  }
0x33: {  	p0 =	seq.s32 s10, $0x1;
	s10 =	sld [smem:$0x3FBA];
	_ =	sdelay $0x3  }
0x34: {  	[smem:$0x3FBA] =	sst s10  }
0x35: {  	s10 =	sld [smem:$0x3FB9];
	_ =	sdelay $0x3  }
0x36: {  	p1 =	seq.s32 s10, $0x1;
	s10 =	sld [smem:$0x3FBA];
	_ =	sdelay $0x3  }
0x37: {  	[smem:$0x3FBA] =	sst s10  }
0x38: {  	s10 =	sld [smem:$0x3FBB]  }
0x39: {  	_ = 	snop;
	(pc) =	sbr.ind lr, $3  }
0x3a: {  	_ = 	snop  }
0x3b: {  	_ = 	snop  }
0x3c: {  	p2 =	seq.s32 s10, $0x1;
	s10 =	sld [smem:$0x3FBA]  }
0x3d: {  	_ =	shalt  }
0x3e: {  	_ =	shalt  }
0x3f: {  	_ =	shalt  }
0x40: {  	_ =	shalt  }
0x41: {  	_ =	shalt  }
0x42: {  	_ =	shalt  }
0x43: {  	_ =	shalt  }
0x44: {  	_ =	shalt  }
0x45: {  	_ =	shalt  }
0x46: {  	_ =	shalt  }
0x47: {  	_ =	shalt  }
0x48: {  	_ =	shalt  }
0x49: {  	_ =	shalt  }
0x4a: {  	_ =	shalt  }
0x4b: {  	_ =	shalt  }
0x4c: {  	_ =	shalt  }
0x4d: {  	_ =	shalt  }
0x4e: {  	_ =	shalt  }
0x4f: {  	_ =	shalt  }
0x50: {  	_ =	shalt  }
0x51: {  	_ =	shalt  }
0x52: {  	_ =	shalt  }
0x53: {  	_ =	shalt  }
0x54: {  	_ =	shalt  }
0x55: {  	_ =	shalt  }
0x56: {  	_ =	shalt  }
0x57: {  	_ =	shalt  }
0x58: {  	_ =	shalt  }
0x59: {  	_ =	shalt  }
0x5a: {  	_ =	shalt  }
0x5b: {  	_ =	shalt  }
0x5c: {  	_ =	shalt  }
0x5d: {  	_ =	shalt  }
0x5e: {  	_ =	shalt  }
0x5f: {  	_ =	shalt  }
0x60: {  	_ =	shalt  }
0x61: {  	_ =	shalt  }
0x62: {  	_ =	shalt  }
0x63: {  	_ =	shalt  }
0x64: {  	_ =	shalt  }
0x65: {  	_ =	shalt  }
0x66: {  	_ =	shalt  }
0x67: {  	_ =	shalt  }
0x68: {  	_ =	shalt  }
0x69: {  	_ =	shalt  }
0x6a: {  	_ =	shalt  }
0x6b: {  	_ =	shalt  }
0x6c: {  	_ =	shalt  }
0x6d: {  	_ =	shalt  }
0x6e: {  	_ =	shalt  }
0x6f: {  	_ =	shalt  }
0x70: {  	_ =	shalt  }
0x71: {  	_ =	shalt  }
0x72: {  	_ =	shalt  }
0x73: {  	_ =	shalt  }
0x74: {  	_ =	shalt  }
0x75: {  	_ =	shalt  }
0x76: {  	_ =	shalt  }
0x77: {  	_ =	shalt  }
0x78: {  	_ =	shalt  }
0x79: {  	_ =	shalt  }
0x7a: {  	_ =	shalt  }
0x7b: {  	_ =	shalt  }
0x7c: {  	_ =	shalt  }
0x7d: {  	_ =	shalt  }
0x7e: {  	_ =	shalt  }
0x7f: {  	_ =	shalt  }
0x80: {  	_ =	shalt  }
0x81: {  	_ =	shalt  }
0x82: {  	_ =	shalt  }
0x83: {  	_ =	shalt  }
0x84: {  	_ =	shalt  }
0x85: {  	_ =	shalt  }
0x86: {  	_ =	shalt  }
0x87: {  	_ =	shalt  }
.Lfunc_end0:
.L_simem_size_0:
called_computation_lowered:
.L_overlay_start_0:
0x88: {  	s2 =	sld [smem:$0x3FD9]  }
0x89: {  	s3 =	sld [smem:$0x3FFE];
	_ =	sdelay $0x1  }
0x8a: {  	s1 =	srdreg.scid  }
0x8b: {  	s0 =	sand.u32 $0x1, s1  }
0x8c: {  	s17 =	sshll.u32 s0, $0xA;
	s2 =	sadd.s32 s3, s2  }
0x8d: {  	s2 =	sadd.s32 s2, s17  }
0x8e: {  	[smem:$0x3FC6] =	sst s2  }
0x8f: {  	_ = 	snop  }
0x90: {  	s2 =	sld [smem:$0x3FC8]  }
0x91: {  	s18 =	sld [smem:$0x3FD0];
	(tm) =	ssettm $0x1  }
0x92: {  	s4 =	sld [smem:$0x3FFB];
	_ =	sdelay $0x3  }
0x93: {  	_ =	strace s4  }
0x94: {  	s4 =	sld [smem:$0x3FFC];
	_ =	sdelay $0x3  }
0x95: {  	_ =	strace s4  }
0x96: {  	s4 =	sld [smem:$0x3FFD];
	_ =	sdelay $0x3  }
0x97: {  	_ =	strace s4  }
0x98: {  	_ =	strace $0x8FFFFFFF  }
0x99: {  	s19 =	sld [smem:$0x3FDB];
	_ =	sdelay $0x1  }
0x9a: {  	s5 =	simm.s32 $_scs_section_size  }
0x9b: {  	s6 =	simm.s32 $_size__tile_overlayer_lowered;
	s7 =	simm.s32 $_tile_overlayer_lowered  }
0x9c: {  	s22 =	simm.s32 $0x1BFF;
	s21 =	sshll.u32 s7, $0x1;
	s4 =	sadd.s32 s5, s19  }
0x9d: {  	s8 =	simm.s32 $0x0;
	s20 =	sshll.u32 s6, $0x1;
	s6 =	sadd.s32 s21, s4  }
0x9e: {  	[timem:s8], [sflag:s22] =	dma.local [hbm:s6], s20  }
0x9f: {  	_ =	swait.ge [sflag:s22], s20  }
0xa0: {  	s5 =	ssub.s32 $0x0, s20;
	[sflag:s22] =	ssyncset.done $0x0  }
0xa1: {  	[sflag:s22] =	ssyncadd.s32 s5;
	_ =	sdelay $0x1  }
0xa2: {  	s23 =	simm.s32 $0x1B8B  }
0xa3: {  	_ =	swait.ge [sflag:s23], $0x1  }
0xa4: {  	[sflag:s23] =	ssyncset.done $0x0  }
0xa5: {  	s25 =	simm.s32 $0x1B8E;
	s24 =	sld [smem:$0x3FFE];
	[sflag:s23] =	ssyncadd.s32 $0xFFFFFFFF  }
0xa6: {  	s26 =	simm.s32 $execute0_lowered;
	[smem:$0x3FD2] =	sst s25  }
0xa7: {  	s6 =	sshll.u32 s26, $0x1;
	_ =	strace $0x80000046;
	[dreg:$0x1] =	wrdreg $0xFFFFFFFF  }
0xa8: {  	s28 =	simm.s32 $_size_execute0_lowered;
	s4 =	sadd.s32 s4, s6;
	[dreg:$0x0] =	wrdreg $0x0  }
0xa9: {  	s6 =	sshll.u32 s28, $0x1;
	[dreg:$0x2] =	wrdreg s4  }
0xaa: {  	[dreg:$0x3] =	wrdreg s6  }
0xab: {  	[dreg:$0x4] =	wrdreg $0xC0  }
0xac: {  	_ =	task [dreg:s8], $0x5FFFF  }
0xad: {  	[dreg:$0x1] =	wrdreg $0xFFFFFFFF  }
0xae: {  	[dreg:$0x0] =	wrdreg $0x60  }
0xaf: {  	[dreg:$0x2] =	wrdreg s2  }
0xb0: {  	[dreg:$0x3] =	wrdreg s24  }
0xb1: {  	[dreg:$0x4] =	wrdreg s18  }
0xb2: {  	[dreg:$0x5] =	wrdreg $0x9  }
0xb3: {  	_ =	task.clear_ibuf [dreg:s8], $0x6FFFF;
	_ =	strace $0x90000046  }
0xb4: {  	s29 =	simm.s32 $0x9;
	_ =	strace $0x80000048  }
0xb5: {  	_ =	swait.ge [sflag:s29], $0x1  }
0xb6: {  	[sflag:s29] =	ssyncadd.s32 $0xFFFFFFFF  }
0xb7: {  	_ =	strace $0x90000048  }
0xb8: {  	_ =	sfence  }
0xb9: {  	s30 =	sld [smem:$0x0];
	_ =	sdelay $0x2  }
0xba: {  	s31 =	sshll.u32 s1, $0xD;
	s1 =	sshrl.u32 s1, $0x2  }
0xbb: {  	s3 =	sand.u32 $0x4000, s31;
	s1 =	sadd.s32 s1, s30  }
0xbc: {  	s0 =	sor.u32 s3, s0;
	s1 =	sshll.u32 s1, $0x11  }
0xbd: {  	s0 =	sor.u32 s1, s0  }
0xbe: {  	s0 =	sadd.s32 $0x8F2B, s0  }
0xbf: {  	[sflag:s0] =	ssyncadd.remote.s32 $0x1  }
0xc0: {  	_ =	sfence.sel $0xFFFF  }
0xc1: {  	[dreg:$0x0] =	wrdreg $0xFFFFFFFF;
	(pc) =	sbr.abs _section_cstart, $3  }
0xc2: {  	[dreg:$0x1] =	wrdreg $0xFFFFFFFF  }
0xc3: {  	_ =	task.clear_ibuf [dreg:s8], $0x2FFFF;
	_ =	strace $0x9FFFFFFF  }
0xc4: {  	(tm) =	ssettm $0x7FFFFFFF  }
0xc5: {  	_ =	shalt  }
tec
execute0_lowered:
.L_overlay_start_1:
0x0: {  	(tag) =	ssettag $0x1  }
0x1: {  	s1 =	rddreg [dreg:$0x0]  }
0x2: {  	s0 =	srdreg.scid;
	s2 =	rddreg [dreg:$0x1]  }
0x3: {  	s7 =	stileid.u32;
	s6 =	rddreg [dreg:$0x2];
	s3 =	simm.s32 $0x0  }
0x4: {  	s9 =	simm.s32 $0x9;
	s10 =	simm.s32 $0x400;
	s22 =	simm.s32 $0xCC00  }
0x5: {  	s18 =	simm.s32 $0x4400;
	s23 =	simm.s32 $0xD400;
	s24 =	simm.s32 $0xDC00  }
0x6: {  	s25 =	simm.s32 $0xE400;
	s26 =	simm.s32 $0xEC00;
	s28 =	simm.s32 $0xF400  }
0x7: {  	s29 =	simm.s32 $0xFC00;
	s30 =	simm.s32 $0x9C00;
	s31 =	simm.s32 $0xA400  }
0x8: {  	s11 =	simm.s32 $0xBC00;
	s12 =	simm.s32 $0x1;
	[smem:$0x7FF] =	sst s3  }
0x9: {  	s13 =	simm.s32 $0xC400;
	_ =	strace $0x80000047;
	[dreg:$0x5] =	wrdreg s22  }
0xa: {  	s14 =	simm.s32 $0x2;
	s15 =	simm.s32 $0x5;
	[dreg:$0x6] =	wrdreg s23  }
0xb: {  	s16 =	simm.s32 $0x3;
	s17 =	simm.s32 $0x6;
	[dreg:$0x7] =	wrdreg s24  }
0xc: {  	s0 =	sand.u32 $0x1, s0;
	s4 =	sshll.u32 s7, $0xB;
	[dreg:$0x8] =	wrdreg s25  }
0xd: {  	s21 =	sshll.u32 s7, $0x12;
	s7 =	sadd.s32 $0x300, s1;
	[dreg:$0x9] =	wrdreg s26  }
0xe: {  	s5 =	sshll.u32 s0, $0xA;
	s19 =	ssub.s32 $0x2, s0;
	[dreg:$0xa] =	wrdreg s28  }
0xf: {  	s0 =	sshll.u32 s0, $0x11;
	[dreg:$0xb] =	wrdreg s29;
	s26 =	simm.s32 $0x8400  }
0x10: {  	s22 =	simm.s32 $0x0;
	s4 =	sor.u32 s5, s4;
	s20 =	sshrl.u32 s19, $0x1  }
0x11: {  	s5 =	sadd.s32 $0x100, s1;
	s4 =	sshrl.u32 s4, $0x3;
	s8 =	ssub.s32 s19, s20  }
0x12: {  	s19 =	simm.s32 $0x4;
	s20 =	simm.s32 $0x7;
	s2 =	sadd.s32 s4, s2  }
0x13: {  	v2 =	vlaneseq.u32;
	s8 =	smax.u32 s8, $0x1;
	s4 =	sadd.s32 $0x400, s2;
	s2 =	sadd.s32 s21, s6  }
0x14: {  	vm0 =	vmmov $0xffff;
	v1 =	vshrl.u32 v2, $0x3;
	s6 =	sadd.s32 $0x200, s1;
	s21 =	simm.s32 $0x8;
	s0 =	sadd.s32 s0, s2  }
0x15: {  	v0 =	vand.u32 $0x7, v2;
	v2 =	vor.u32 $0x8, v2;
	v1 =	vmul.u32 $0x8, v1;
	s2 =	simm.s32 $0xAC00;
	[dreg:$0x4] =	wrdreg s0;
	s0 =	simm.s32 $0xB400  }
.LBB2_1:
0x16: {  	[tilespmem:s3], [sflag:$0x9] =	stream.linear.gather [hbm4b:s4+s3], $0x400, $0x38;
	[tilespmem:$0x10400] =	vst v63  }
0x17: {  	_ =	swait.ge [sflag:s9], $0x400  }
0x18: {  	[sflag:s9] =	ssyncset.done $0x0  }
0x19: {  	[sflag:s9] =	ssyncadd.s32 $0xFFFFFC00  }
0x1a: {  	v3 =	vld [tilespmem:$0x0];
	_ =	sdelay $0x4  }
0x1b: {  	v4 =	vshll.u32 v3, $0x3  }
0x1c: {  	v3 =	vand.u32 $0x7, v3;
	v4 =	vand.u32 $0xFFFFFFC0, v4  }
0x1d: {  	v3 =	vor.u32 v3, v4  }
0x1e: {  	v4 =	vperm.xlane v3, v0;
	_ =	sdelay $0x1  }
0x1f: {  	v4 =	vadd.s32 v1, v4;
	_ =	sdelay $0x4  }
0x20: {  	[tilespmem:s10], [sflag:$0x1] =	stream.indirect_vreg.gather [hbm4b:s1+s3], $0x80, v4, vm0, $0xb8;
	[tilespmem:$0x10400] =	vst v63  }
0x21: {  	s23 =	simm.s32 $0xC00;
	v3 =	vperm.xlane v3, v2  }
0x22: {  	[tilespmem:s23], [sflag:$0x1] =	stream.indirect_vreg.gather [hbm4b:s5+s3], $0x80, v4, vm0, $0xb8;
	[tilespmem:$0x10400] =	vst v63  }
0x23: {  	s25 =	simm.s32 $0x1400;
	v3 =	vadd.s32 v1, v3  }
0x24: {  	[tilespmem:s25], [sflag:$0x1] =	stream.indirect_vreg.gather [hbm4b:s6+s3], $0x80, v4, vm0, $0xb8;
	[tilespmem:$0x10400] =	vst v63  }
0x25: {  	s28 =	simm.s32 $0x1C00  }
0x26: {  	[tilespmem:s28], [sflag:$0x1] =	stream.indirect_vreg.gather [hbm4b:s7+s3], $0x80, v4, vm0, $0xb8;
	[tilespmem:$0x10400] =	vst v63  }
0x27: {  	s29 =	simm.s32 $0x2400  }
0x28: {  	[tilespmem:s29], [sflag:$0x1] =	stream.indirect_vreg.gather [hbm4b:s1+s3], $0x80, v3, vm0, $0xb8;
	[tilespmem:$0x10400] =	vst v63  }
0x29: {  	s24 =	simm.s32 $0x2C00  }
0x2a: {  	[tilespmem:s24], [sflag:$0x1] =	stream.indirect_vreg.gather [hbm4b:s5+s3], $0x80, v3, vm0, $0xb8;
	[tilespmem:$0x10400] =	vst v63  }
0x2b: {  	s25 =	simm.s32 $0x3400  }
0x2c: {  	[tilespmem:s25], [sflag:$0x1] =	stream.indirect_vreg.gather [hbm4b:s6+s3], $0x80, v3, vm0, $0xb8;
	[tilespmem:$0x10400] =	vst v63  }
0x2d: {  	s28 =	simm.s32 $0x3C00  }
0x2e: {  	[tilespmem:s28], [sflag:$0x1] =	stream.indirect_vreg.gather [hbm4b:s7+s3], $0x80, v3, vm0, $0xb8;
	[tilespmem:$0x10400] =	vst v63  }
0x2f: {  	v3 =	vld [tilespmem:$0x10];
	_ =	sdelay $0x4  }
0x30: {  	v62 =	vshll.u32 v3, $0x3  }
0x31: {  	v3 =	vand.u32 $0x7, v3;
	v4 =	vand.u32 $0xFFFFFFC0, v62  }
0x32: {  	v3 =	vor.u32 v3, v4  }
0x33: {  	v4 =	vperm.xlane v3, v0;
	_ =	sdelay $0x1  }
0x34: {  	v4 =	vadd.s32 v1, v4;
	_ =	sdelay $0x4  }
0x35: {  	[tilespmem:s18], [sflag:$0x2] =	stream.indirect_vreg.gather [hbm4b:s1+s3], $0x80, v4, vm0, $0xb8;
	[tilespmem:$0x10400] =	vst v63  }
0x36: {  	s29 =	simm.s32 $0x4C00;
	v3 =	vperm.xlane v3, v2  }
0x37: {  	[tilespmem:s29], [sflag:$0x2] =	stream.indirect_vreg.gather [hbm4b:s5+s3], $0x80, v4, vm0, $0xb8;
	[tilespmem:$0x10400] =	vst v63  }
0x38: {  	s24 =	simm.s32 $0x5400;
	v3 =	vadd.s32 v1, v3  }
0x39: {  	[tilespmem:s24], [sflag:$0x2] =	stream.indirect_vreg.gather [hbm4b:s6+s3], $0x80, v4, vm0, $0xb8;
	[tilespmem:$0x10400] =	vst v63  }
0x3a: {  	s25 =	simm.s32 $0x5C00  }
0x3b: {  	[tilespmem:s25], [sflag:$0x2] =	stream.indirect_vreg.gather [hbm4b:s7+s3], $0x80, v4, vm0, $0xb8;
	[tilespmem:$0x10400] =	vst v63  }
0x3c: {  	s28 =	simm.s32 $0x6400  }
0x3d: {  	[tilespmem:s28], [sflag:$0x2] =	stream.indirect_vreg.gather [hbm4b:s1+s3], $0x80, v3, vm0, $0xb8;
	[tilespmem:$0x10400] =	vst v63  }
0x3e: {  	s29 =	simm.s32 $0x6C00  }
0x3f: {  	[tilespmem:s29], [sflag:$0x2] =	stream.indirect_vreg.gather [hbm4b:s5+s3], $0x80, v3, vm0, $0xb8;
	[tilespmem:$0x10400] =	vst v63  }
0x40: {  	s24 =	simm.s32 $0x7400  }
0x41: {  	[tilespmem:s24], [sflag:$0x2] =	stream.indirect_vreg.gather [hbm4b:s6+s3], $0x80, v3, vm0, $0xb8;
	[tilespmem:$0x10400] =	vst v63  }
0x42: {  	s25 =	simm.s32 $0x7C00  }
0x43: {  	[tilespmem:s25], [sflag:$0x2] =	stream.indirect_vreg.gather [hbm4b:s7+s3], $0x80, v3, vm0, $0xb8;
	[tilespmem:$0x10400] =	vst v63  }
0x44: {  	v3 =	vld [tilespmem:$0x20];
	_ =	sdelay $0x4  }
0x45: {  	v63 =	vshll.u32 v3, $0x3  }
0x46: {  	v3 =	vand.u32 $0x7, v3;
	v4 =	vand.u32 $0xFFFFFFC0, v63  }
0x47: {  	v3 =	vor.u32 v3, v4  }
0x48: {  	v4 =	vperm.xlane v3, v0;
	_ =	sdelay $0x1  }
0x49: {  	v4 =	vadd.s32 v1, v4;
	_ =	sdelay $0x4  }
0x4a: {  	[tilespmem:s26], [sflag:$0x3] =	stream.indirect_vreg.gather [hbm4b:s1+s3], $0x80, v4, vm0, $0xb8;
	[tilespmem:$0x10400] =	vst v63  }
0x4b: {  	s28 =	simm.s32 $0x8C00;
	v3 =	vperm.xlane v3, v2  }
0x4c: {  	[tilespmem:s28], [sflag:$0x3] =	stream.indirect_vreg.gather [hbm4b:s5+s3], $0x80, v4, vm0, $0xb8;
	[tilespmem:$0x10400] =	vst v63  }
0x4d: {  	s29 =	simm.s32 $0x9400;
	v3 =	vadd.s32 v1, v3  }
0x4e: {  	[tilespmem:s29], [sflag:$0x3] =	stream.indirect_vreg.gather [hbm4b:s6+s3], $0x80, v4, vm0, $0xb8;
	[tilespmem:$0x10400] =	vst v63  }
0x4f: {  	_ = 	snop  }
0x50: {  	[tilespmem:s30], [sflag:$0x3] =	stream.indirect_vreg.gather [hbm4b:s7+s3], $0x80, v4, vm0, $0xb8;
	[tilespmem:$0x10400] =	vst v63  }
0x51: {  	_ = 	snop  }
0x52: {  	[tilespmem:s31], [sflag:$0x3] =	stream.indirect_vreg.gather [hbm4b:s1+s3], $0x80, v3, vm0, $0xb8;
	[tilespmem:$0x10400] =	vst v63  }
0x53: {  	_ = 	snop  }
0x54: {  	[tilespmem:s2], [sflag:$0x3] =	stream.indirect_vreg.gather [hbm4b:s5+s3], $0x80, v3, vm0, $0xb8;
	[tilespmem:$0x10400] =	vst v63  }
0x55: {  	_ = 	snop  }
0x56: {  	[tilespmem:s0], [sflag:$0x3] =	stream.indirect_vreg.gather [hbm4b:s6+s3], $0x80, v3, vm0, $0xb8;
	[tilespmem:$0x10400] =	vst v63  }
0x57: {  	s23 =	simm.s32 $0x60;
	s24 =	simm.s32 $0x0  }
0x58: {  	[tilespmem:s11], [sflag:$0x3] =	stream.indirect_vreg.gather [hbm4b:s7+s3], $0x80, v3, vm0, $0xb8;
	[tilespmem:$0x10400] =	vst v63  }
.LBB2_2:
0x59: {  	_ =	swait.ge [sflag:s12], $0x4000  }
0x5a: {  	p0 =	seq.s32 s24, $0x0;
	[sflag:s12] =	ssyncset.done $0x0  }
0x5b: {  	s25 =	simm.s32 @!p0 $0x8;
	[sflag:s12] =	ssyncadd.s32 $0xFFFFC000  }
0x5c: {  	_ =	swait.ge @!p0 [sflag:s25], $0x4000  }
0x5d: {  	[sflag:s25] =	ssyncset.done @!p0 $0x0  }
0x5e: {  	[sflag:s25] =	ssyncadd.s32 @!p0 $0xFFFFC000  }
0x5f: {  	v3 =	vld [tilespmem:s23+$0xFFFFFFD0];
	_ =	sdelay $0x4  }
0x60: {  	v4 =	vshll.u32 v3, $0x3  }
0x61: {  	v3 =	vand.u32 $0x7, v3;
	v4 =	vand.u32 $0xFFFFFFC0, v4  }
0x62: {  	v3 =	vor.u32 v3, v4  }
0x63: {  	v4 =	vperm.xlane v3, v0;
	_ =	sdelay $0x1  }
0x64: {  	v4 =	vadd.s32 v1, v4;
	_ =	sdelay $0x3  }
0x65: {  	s29 =	rddreg [dreg:$0x5]  }
0x66: {  	[tilespmem:s13], [sflag:$0x4] =	stream.indirect_vreg.gather [hbm4b:s1+s3], $0x80, v4, vm0, $0xb8;
	[tilespmem:$0x10400] =	vst v63  }
0x67: {  	s28 =	rddreg [dreg:$0x6];
	v3 =	vperm.xlane v3, v2  }
0x68: {  	[tilespmem:s29], [sflag:$0x4] =	stream.indirect_vreg.gather [hbm4b:s5+s3], $0x80, v4, vm0, $0xb8;
	[tilespmem:$0x10400] =	vst v63  }
0x69: {  	s25 =	rddreg [dreg:$0x7];
	v3 =	vadd.s32 v1, v3  }
0x6a: {  	[tilespmem:s28], [sflag:$0x4] =	stream.indirect_vreg.gather [hbm4b:s6+s3], $0x80, v4, vm0, $0xb8;
	[tilespmem:$0x10400] =	vst v63  }
0x6b: {  	s29 =	rddreg [dreg:$0x8]  }
0x6c: {  	[tilespmem:s25], [sflag:$0x4] =	stream.indirect_vreg.gather [hbm4b:s7+s3], $0x80, v4, vm0, $0xb8;
	[tilespmem:$0x10400] =	vst v63  }
0x6d: {  	s25 =	rddreg [dreg:$0x9]  }
0x6e: {  	[tilespmem:s29], [sflag:$0x4] =	stream.indirect_vreg.gather [hbm4b:s1+s3], $0x80, v3, vm0, $0xb8;
	[tilespmem:$0x10400] =	vst v63  }
0x6f: {  	s29 =	rddreg [dreg:$0xa]  }
0x70: {  	[tilespmem:s25], [sflag:$0x4] =	stream.indirect_vreg.gather [hbm4b:s5+s3], $0x80, v3, vm0, $0xb8;
	[tilespmem:$0x10400] =	vst v63  }
0x71: {  	s25 =	rddreg [dreg:$0xb]  }
0x72: {  	[tilespmem:s29], [sflag:$0x4] =	stream.indirect_vreg.gather [hbm4b:s6+s3], $0x80, v3, vm0, $0xb8;
	[tilespmem:$0x10400] =	vst v63  }
0x73: {  	s29 =	rddreg [dreg:$0x4]  }
0x74: {  	[tilespmem:s25], [sflag:$0x4] =	stream.indirect_vreg.gather [hbm4b:s7+s3], $0x80, v3, vm0, $0xb8;
	[tilespmem:$0x10400] =	vst v63  }
0x75: {  	s25 =	sadd.s32 s24, s29  }
0x76: {  	[hbm4b:s25+s3] =	stream.linear.scatter [tilespmem:s10], [sflag:$0x5], $0x4000, $0x38;
	[tilespmem:$0x10400] =	vst v63  }
0x77: {  	_ =	swait.ge [sflag:s14], $0x4000  }
0x78: {  	[sflag:s14] =	ssyncset.done $0x0  }
0x79: {  	[sflag:s14] =	ssyncadd.s32 $0xFFFFC000  }
0x7a: {  	_ =	swait.ge [sflag:s15], $0x4000  }
0x7b: {  	[sflag:s15] =	ssyncset.done $0x0  }
0x7c: {  	p0 =	seq.s32 s24, $0x1E000;
	[sflag:s15] =	ssyncadd.s32 $0xFFFFC000  }
0x7d: {  	v3 =	vld @!p0 [tilespmem:s23+$0xFFFFFFE0];
	_ =	sdelay $0x4  }
0x7e: {  	v4 =	vshll.u32 @!p0 v3, $0x3  }
0x7f: {  	v5 =	vlaneseq.u32 @!p0;
	v3 =	vand.u32 @!p0 $0x7, v3;
	v4 =	vand.u32 @!p0 $0xFFFFFFC0, v4  }
0x80: {  	v6 =	vshrl.u32 @!p0 v5, $0x3;
	v3 =	vor.u32 @!p0 v3, v4;
	v4 =	vand.u32 @!p0 $0x7, v5  }
0x81: {  	v6 =	vmul.u32 @!p0 $0x8, v6;
	v7 =	vperm.xlane @!p0 v3, v4;
	_ =	sdelay $0x1  }
0x82: {  	v7 =	vadd.s32 @!p0 v6, v7;
	_ =	sdelay $0x3  }
0x83: {  	vm1 =	vmmov @!p0 $0xffff;
	s28 =	simm.s32 @!p0 $0x0;
	s29 =	simm.s32 @!p0 $0x400  }
0x84: {  	v5 =	vor.u32 @!p0 $0x8, v5;
	[tilespmem:s29], [sflag:$0x1] =	stream.indirect_vreg.gather @!p0 [hbm4b:s1+s28], $0x80, v7, vm1, $0xb8;
	[tilespmem:$0x10400] =	vst v63  }
0x85: {  	v3 =	vperm.xlane @!p0 v3, v5;
	s29 =	simm.s32 @!p0 $0xC00  }
0x86: {  	[tilespmem:s29], [sflag:$0x1] =	stream.indirect_vreg.gather @!p0 [hbm4b:s5+s28], $0x80, v7, vm1, $0xb8;
	[tilespmem:$0x10400] =	vst v63  }
0x87: {  	v3 =	vadd.s32 @!p0 v6, v3;
	s29 =	simm.s32 @!p0 $0x1400  }
0x88: {  	[tilespmem:s29], [sflag:$0x1] =	stream.indirect_vreg.gather @!p0 [hbm4b:s6+s28], $0x80, v7, vm1, $0xb8;
	[tilespmem:$0x10400] =	vst v63  }
0x89: {  	s29 =	simm.s32 @!p0 $0x1C00  }
0x8a: {  	[tilespmem:s29], [sflag:$0x1] =	stream.indirect_vreg.gather @!p0 [hbm4b:s7+s28], $0x80, v7, vm1, $0xb8;
	[tilespmem:$0x10400] =	vst v63  }
0x8b: {  	s29 =	simm.s32 @!p0 $0x2400  }
0x8c: {  	[tilespmem:s29], [sflag:$0x1] =	stream.indirect_vreg.gather @!p0 [hbm4b:s1+s28], $0x80, v3, vm1, $0xb8;
	[tilespmem:$0x10400] =	vst v63  }
0x8d: {  	s29 =	simm.s32 @!p0 $0x2C00  }
0x8e: {  	[tilespmem:s29], [sflag:$0x1] =	stream.indirect_vreg.gather @!p0 [hbm4b:s5+s28], $0x80, v3, vm1, $0xb8;
	[tilespmem:$0x10400] =	vst v63  }
0x8f: {  	s29 =	simm.s32 @!p0 $0x3400  }
0x90: {  	[tilespmem:s29], [sflag:$0x1] =	stream.indirect_vreg.gather @!p0 [hbm4b:s6+s28], $0x80, v3, vm1, $0xb8;
	[tilespmem:$0x10400] =	vst v63  }
0x91: {  	s29 =	simm.s32 @!p0 $0x3C00  }
0x92: {  	[tilespmem:s29], [sflag:$0x1] =	stream.indirect_vreg.gather @!p0 [hbm4b:s7+s28], $0x80, v3, vm1, $0xb8;
	[tilespmem:$0x10400] =	vst v63  }
0x93: {  	s29 =	sadd.s32 $0x800, s25  }
0x94: {  	[hbm4b:s29+s3] =	stream.linear.scatter [tilespmem:s18], [sflag:$0x6], $0x4000, $0x38;
	[tilespmem:$0x10400] =	vst v63  }
0x95: {  	_ =	swait.ge [sflag:s16], $0x4000  }
0x96: {  	[sflag:s16] =	ssyncset.done $0x0  }
0x97: {  	[sflag:s16] =	ssyncadd.s32 $0xFFFFC000  }
0x98: {  	_ =	swait.ge [sflag:s17], $0x4000  }
0x99: {  	[sflag:s17] =	ssyncset.done $0x0  }
0x9a: {  	[sflag:s17] =	ssyncadd.s32 $0xFFFFC000  }
0x9b: {  	v3 =	vld @!p0 [tilespmem:s23+$0xFFFFFFF0];
	_ =	sdelay $0x4  }
0x9c: {  	v7 =	vshll.u32 @!p0 v3, $0x3  }
0x9d: {  	v3 =	vand.u32 @!p0 $0x7, v3;
	v7 =	vand.u32 @!p0 $0xFFFFFFC0, v7  }
0x9e: {  	v3 =	vor.u32 @!p0 v3, v7  }
0x9f: {  	v7 =	vperm.xlane @!p0 v3, v4;
	_ =	sdelay $0x1  }
0xa0: {  	v7 =	vadd.s32 @!p0 v6, v7;
	_ =	sdelay $0x3  }
0xa1: {  	s29 =	simm.s32 @!p0 $0x4400  }
0xa2: {  	[tilespmem:s29], [sflag:$0x2] =	stream.indirect_vreg.gather @!p0 [hbm4b:s1+s28], $0x80, v7, vm1, $0xb8;
	[tilespmem:$0x10400] =	vst v63  }
0xa3: {  	v3 =	vperm.xlane @!p0 v3, v5;
	s29 =	simm.s32 @!p0 $0x4C00  }
0xa4: {  	[tilespmem:s29], [sflag:$0x2] =	stream.indirect_vreg.gather @!p0 [hbm4b:s5+s28], $0x80, v7, vm1, $0xb8;
	[tilespmem:$0x10400] =	vst v63  }
0xa5: {  	v3 =	vadd.s32 @!p0 v6, v3;
	s29 =	simm.s32 @!p0 $0x5400  }
0xa6: {  	[tilespmem:s29], [sflag:$0x2] =	stream.indirect_vreg.gather @!p0 [hbm4b:s6+s28], $0x80, v7, vm1, $0xb8;
	[tilespmem:$0x10400] =	vst v63  }
0xa7: {  	s29 =	simm.s32 @!p0 $0x5C00  }
0xa8: {  	[tilespmem:s29], [sflag:$0x2] =	stream.indirect_vreg.gather @!p0 [hbm4b:s7+s28], $0x80, v7, vm1, $0xb8;
	[tilespmem:$0x10400] =	vst v63  }
0xa9: {  	s29 =	simm.s32 @!p0 $0x6400  }
0xaa: {  	[tilespmem:s29], [sflag:$0x2] =	stream.indirect_vreg.gather @!p0 [hbm4b:s1+s28], $0x80, v3, vm1, $0xb8;
	[tilespmem:$0x10400] =	vst v63  }
0xab: {  	s29 =	simm.s32 @!p0 $0x6C00  }
0xac: {  	[tilespmem:s29], [sflag:$0x2] =	stream.indirect_vreg.gather @!p0 [hbm4b:s5+s28], $0x80, v3, vm1, $0xb8;
	[tilespmem:$0x10400] =	vst v63  }
0xad: {  	s29 =	simm.s32 @!p0 $0x7400  }
0xae: {  	[tilespmem:s29], [sflag:$0x2] =	stream.indirect_vreg.gather @!p0 [hbm4b:s6+s28], $0x80, v3, vm1, $0xb8;
	[tilespmem:$0x10400] =	vst v63  }
0xaf: {  	s29 =	simm.s32 @!p0 $0x7C00  }
0xb0: {  	[tilespmem:s29], [sflag:$0x2] =	stream.indirect_vreg.gather @!p0 [hbm4b:s7+s28], $0x80, v3, vm1, $0xb8;
	[tilespmem:$0x10400] =	vst v63  }
0xb1: {  	s29 =	sadd.s32 $0x1000, s25  }
0xb2: {  	[hbm4b:s29+s3] =	stream.linear.scatter [tilespmem:s26], [sflag:$0x7], $0x4000, $0x38;
	[tilespmem:$0x10400] =	vst v63  }
0xb3: {  	_ =	swait.ge [sflag:s19], $0x4000  }
0xb4: {  	[sflag:s19] =	ssyncset.done $0x0  }
0xb5: {  	[sflag:s19] =	ssyncadd.s32 $0xFFFFC000  }
0xb6: {  	_ =	swait.ge [sflag:s20], $0x4000  }
0xb7: {  	[sflag:s20] =	ssyncset.done $0x0  }
0xb8: {  	[sflag:s20] =	ssyncadd.s32 $0xFFFFC000  }
0xb9: {  	v3 =	vld @!p0 [tilespmem:s23+$0x0];
	_ =	sdelay $0x4  }
0xba: {  	v7 =	vshll.u32 @!p0 v3, $0x3  }
0xbb: {  	v3 =	vand.u32 @!p0 $0x7, v3;
	v7 =	vand.u32 @!p0 $0xFFFFFFC0, v7  }
0xbc: {  	v3 =	vor.u32 @!p0 v3, v7  }
0xbd: {  	v4 =	vperm.xlane @!p0 v3, v4;
	_ =	sdelay $0x1  }
0xbe: {  	v4 =	vadd.s32 @!p0 v6, v4;
	_ =	sdelay $0x3  }
0xbf: {  	s29 =	simm.s32 @!p0 $0x8400  }
0xc0: {  	[tilespmem:s29], [sflag:$0x3] =	stream.indirect_vreg.gather @!p0 [hbm4b:s1+s28], $0x80, v4, vm1, $0xb8;
	[tilespmem:$0x10400] =	vst v63  }
0xc1: {  	v3 =	vperm.xlane @!p0 v3, v5;
	s29 =	simm.s32 @!p0 $0x8C00  }
0xc2: {  	[tilespmem:s29], [sflag:$0x3] =	stream.indirect_vreg.gather @!p0 [hbm4b:s5+s28], $0x80, v4, vm1, $0xb8;
	[tilespmem:$0x10400] =	vst v63  }
0xc3: {  	v3 =	vadd.s32 @!p0 v6, v3;
	s29 =	simm.s32 @!p0 $0x9400  }
0xc4: {  	[tilespmem:s29], [sflag:$0x3] =	stream.indirect_vreg.gather @!p0 [hbm4b:s6+s28], $0x80, v4, vm1, $0xb8;
	[tilespmem:$0x10400] =	vst v63  }
0xc5: {  	s29 =	simm.s32 @!p0 $0x9C00  }
0xc6: {  	[tilespmem:s29], [sflag:$0x3] =	stream.indirect_vreg.gather @!p0 [hbm4b:s7+s28], $0x80, v4, vm1, $0xb8;
	[tilespmem:$0x10400] =	vst v63  }
0xc7: {  	s29 =	simm.s32 @!p0 $0xA400  }
0xc8: {  	[tilespmem:s29], [sflag:$0x3] =	stream.indirect_vreg.gather @!p0 [hbm4b:s1+s28], $0x80, v3, vm1, $0xb8;
	[tilespmem:$0x10400] =	vst v63  }
0xc9: {  	s29 =	simm.s32 @!p0 $0xAC00  }
0xca: {  	[tilespmem:s29], [sflag:$0x3] =	stream.indirect_vreg.gather @!p0 [hbm4b:s5+s28], $0x80, v3, vm1, $0xb8;
	[tilespmem:$0x10400] =	vst v63  }
0xcb: {  	s29 =	simm.s32 @!p0 $0xB400  }
0xcc: {  	[tilespmem:s29], [sflag:$0x3] =	stream.indirect_vreg.gather @!p0 [hbm4b:s6+s28], $0x80, v3, vm1, $0xb8;
	[tilespmem:$0x10400] =	vst v63  }
0xcd: {  	s24 =	sadd.s32 $0x2000, s24;
	s29 =	simm.s32 @!p0 $0xBC00  }
0xce: {  	[tilespmem:s29], [sflag:$0x3] =	stream.indirect_vreg.gather @!p0 [hbm4b:s7+s28], $0x80, v3, vm1, $0xb8;
	[tilespmem:$0x10400] =	vst v63  }
0xcf: {  	p0 =	sne.s32 s24, $0x20000  }
.Ltmp0:
0xd0: {  	_ = 	snop;
	(pc) =	sbr.rel @p0 .LBB2_2-.Ltmp0, $3  }
0xd1: {  	_ =	sdelay $0x1  }
0xd2: {  	s25 =	sadd.s32 $0x1800, s25;
	s23 =	sadd.s32 $0x40, s23  }
0xd3: {  	[hbm4b:s25+s3] =	stream.linear.scatter [tilespmem:s13], [sflag:$0x8], $0x4000, $0x38;
	[tilespmem:$0x10400] =	vst v63  }
0xd4: {  	s22 =	sadd.s32 $0x1, s22  }
0xd5: {  	p0 =	sne.s32 s22, s8  }
.Ltmp1:
0xd6: {  	_ = 	snop;
	(pc) =	sbr.rel @p0 .LBB2_1-.Ltmp1, $4  }
0xd7: {  	_ = 	snop  }
0xd8: {  	_ =	swait.ge [sflag:s21], $0x4000  }
0xd9: {  	[sflag:s21] =	ssyncset.done $0x0  }
0xda: {  	[sflag:s21] =	ssyncadd.s32 $0xFFFFC000  }
0xdb: {  	_ =	sfence.sel $0x180000  }
0xdc: {  	[bflag:$0x0] =	sbarrier.arrive $0xFFFF  }
0xdd: {  	_ =	strace $0x90000047  }
0xde: {  	s0 =	stileid.u32;
	[bflag:$0x2] =	sbarrier.arrive $0xFFFF  }
0xdf: {  	p0 =	sne.s32 s0, $0x0;
	s0 =	rddreg [dreg:$0x3]  }
0xe0: {  	s0 =	sadd.s32 @!p0 $0x100000, s0  }
0xe1: {  	[sflag:s0] =	ssyncadd.tile.s32 @!p0 $0x1;
	_ =	shalt  }
.Lfunc_end2:
_tile_overlayer_lowered:
.L_overlay_start_2:
0xe2: {  	(tag) =	ssettag $0x2  }
0xe3: {  	s0 =	rddreg [dreg:$0x0];
	s2 =	stileid.u32  }
0xe4: {  	s1 =	rddreg [dreg:$0x1];
	p0 =	sne.s32 s2, $0x0  }
0xe5: {  	s3 =	rddreg [dreg:$0x2];
	[bflag:$0x3] =	sbarrier.arrive $0xFFFF;
	s2 =	simm.s32 @!p0 $0x1C09  }
0xe6: {  	[timem:s3], [sflag:s2] =	dma.local @!p0 [hbm:s0], s1  }
0xe7: {  	s0 =	simm.s32 @!p0 $0x9  }
0xe8: {  	_ =	swait.ge @!p0 [sflag:s0], s1  }
0xe9: {  	s1 =	ssub.s32 @!p0 $0x0, s1;
	[sflag:s0] =	ssyncset.done @!p0 $0x0  }
0xea: {  	[sflag:s0] =	ssyncadd.s32 @!p0 s1  }
0xeb: {  	[bflag:$0x3] =	sbarrier.arrive $0xFFFF  }
0xec: {  	_ =	shalt  }

</sc_bundles>
